<compile_context>
chip_gen: v7x
topology: tpu7x:2x2x1
jax: 0.10.2.dev20260603
libtpu: 0.0.44.dev20260713+nightly
codegen_flags: <defaults>
</compile_context>

<pallas_src>
import functools

import jax
import jax.numpy as jnp
from jax import lax
from jax.experimental import pallas as pl
from jax.experimental.pallas import tpu as pltpu
from jax.experimental.pallas import tpu_sc as plsc


def kernel(input_tensor, table):
    B, H = input_tensor.shape
    V, D = table.shape
    N = B * H
    Hp = (H + 7) // 8 * 8
    Dp = 128

    info = plsc.get_sparse_core_info()
    NC, NS = info.num_cores, info.num_subcores
    NW = NC * NS

    K = 2 * H
    assert N % (NW * K) == 0
    n_per_w = N // NW
    n_ck = n_per_w // K
    b_per_w = B // NW

    idx = input_tensor.reshape(N // K, K).astype(jnp.int32)

    mesh = plsc.VectorSubcoreMesh(core_axis_name="c", subcore_axis_name="s")

    NBUF = 4
    DEPTH = 2

    @functools.partial(
        pl.kernel,
        out_type=jax.ShapeDtypeStruct((B, Hp, Dp), jnp.float32),
        mesh=mesh,
        scratch_types=[
            pltpu.VMEM((n_ck, K), jnp.int32),
            pltpu.VMEM((NBUF, K, D), jnp.float32),
            pltpu.SemaphoreType.DMA,
            [pltpu.SemaphoreType.DMA] * NBUF,
            [pltpu.SemaphoreType.DMA] * NBUF,
        ],
        compiler_params=pltpu.CompilerParams(use_tc_tiling_on_sc=False),
    )
    def emb(idx_hbm, table_hbm, out_hbm, idx_v, rows_v, isem, gsems, wsems):
        wid = lax.axis_index("s") * NC + lax.axis_index("c")
        b0 = wid * b_per_w
        pltpu.async_copy(idx_hbm.at[pl.ds(wid * n_ck, n_ck)], idx_v, isem).wait()

        def gstart(c, j):
            pltpu.async_copy(
                table_hbm.at[idx_v.at[c]], rows_v.at[j], gsems[j]
            )

        def gwait(c, j):
            pltpu.make_async_copy(
                table_hbm.at[idx_v.at[c]], rows_v.at[j], gsems[j]
            ).wait()

        def wstart(c, j):
            b = b0 + 2 * c
            pltpu.async_copy(
                rows_v.at[j, pl.ds(0, H)],
                out_hbm.at[b, pl.ds(0, H), pl.ds(0, D)],
                wsems[j],
            )
            pltpu.async_copy(
                rows_v.at[j, pl.ds(H, H)],
                out_hbm.at[b + 1, pl.ds(0, H), pl.ds(0, D)],
                wsems[j],
            )

        def wwait(c, j):
            b = b0 + 2 * c
            pltpu.make_async_copy(
                rows_v.at[j, pl.ds(0, H)],
                out_hbm.at[b, pl.ds(0, H), pl.ds(0, D)],
                wsems[j],
            ).wait()
            pltpu.make_async_copy(
                rows_v.at[j, pl.ds(H, H)],
                out_hbm.at[b + 1, pl.ds(0, H), pl.ds(0, D)],
                wsems[j],
            ).wait()

        for d in range(DEPTH):
            gstart(d, d)

        def body(gi, carry):
            base = gi * NBUF
            for j in range(NBUF):
                c = base + j
                jj = (j + DEPTH) % NBUF

                @pl.when(c >= NBUF - DEPTH)
                def _():
                    wwait(c - (NBUF - DEPTH), jj)

                @pl.when(c + DEPTH < n_ck)
                def _():
                    gstart(c + DEPTH, jj)

                gwait(c, j)
                wstart(c, j)
            return carry

        lax.fori_loop(0, n_ck // NBUF, body, 0)
        for c in range(n_ck - (NBUF - DEPTH), n_ck):
            wwait(c, c % NBUF)

    out_p = emb(idx, table)
    return out_p[:, :H, :D]

# --- scband reference (transcript-rebuilt; emitter-appended) ---
"""Pipeline reference for scband-embedding-layer-7722351198829 (READ-ONLY COPY).

The authoritative reference and input builder live on the scoring server;
editing this copy changes nothing except your own understanding.
"""

import jax, jax.numpy as jnp
import numpy as np

VOCAB = 100000
EMBED_DIM = 64
BATCH = 4096
HIST = 50

def setup_inputs(seed: int = 0) -> dict:
    key = jax.random.key(seed)
    k_idx, k_tab = jax.random.split(key)
    input_tensor = jax.random.randint(k_idx, (BATCH, HIST), 0, VOCAB, dtype=jnp.int64 if jax.config.jax_enable_x64 else jnp.int32)
    table = jax.random.normal(k_tab, (VOCAB, EMBED_DIM), dtype=jnp.float32) * 0.02
    return {"input_tensor": input_tensor, "table": table}

def reference(input_tensor, table):
    # Faithful to keras Embedding: gather rows of the embedding table by index.
    features = jnp.take(table, input_tensor, axis=0)
    return features

if __name__ == "__main__":
    import jax
    _d = setup_inputs()
    print(jax.jit(kernel)(*tuple(_d.values())))

</pallas_src>

<mosaic_0001>
#map = affine_map<(d0, d1) -> (0, 0)>
#map1 = affine_map<(d0, d1) -> (0, 0, 0)>
module attributes {stable_mosaic.version = 14 : i64} {
  func.func @emb(%arg0: i32, %arg1: i32, %arg2: memref<2048x100xi32, #tpu.memory_space<hbm>>, %arg3: memref<100000x64xf32, #tpu.memory_space<hbm>>, %arg4: memref<4096x56x128xf32, #tpu.memory_space<hbm>>, %arg5: memref<64x100xi32, #tpu.memory_space<vmem>>, %arg6: memref<4x100x64xf32, #tpu.memory_space<vmem>>, %arg7: memref<!tpu.dma_semaphore, #tpu.memory_space<semaphore_mem>>, %arg8: memref<!tpu.dma_semaphore, #tpu.memory_space<semaphore_mem>>, %arg9: memref<!tpu.dma_semaphore, #tpu.memory_space<semaphore_mem>>, %arg10: memref<!tpu.dma_semaphore, #tpu.memory_space<semaphore_mem>>, %arg11: memref<!tpu.dma_semaphore, #tpu.memory_space<semaphore_mem>>, %arg12: memref<!tpu.dma_semaphore, #tpu.memory_space<semaphore_mem>>, %arg13: memref<!tpu.dma_semaphore, #tpu.memory_space<semaphore_mem>>, %arg14: memref<!tpu.dma_semaphore, #tpu.memory_space<semaphore_mem>>, %arg15: memref<!tpu.dma_semaphore, #tpu.memory_space<semaphore_mem>>) attributes {dimension_semantics = [#tpu.dimension_semantics<core_parallel>, #tpu.dimension_semantics<subcore_parallel>], iteration_bounds = array<i64: 2, 16>, scalar_prefetch = 0 : i64, scratch_operands = 11 : i64, tpu.core_type = #tpu.core_type<sc_vector_subcore>, window_params = [{transform_indices = #map}, {transform_indices = #map}, {transform_indices = #map1}]} {
    %mul3A = arith.constant 2 : i32
    %mul3A_0 = arith.muli %arg1, %mul3A : i32
    %add3A = arith.addi %mul3A_0, %arg0 : i32
    %mul3A_1 = arith.constant 128 : i32
    %mul3A_2 = arith.muli %add3A, %mul3A_1 : i32
    %mul3A_3 = arith.constant 64 : i32
    %mul3A_4 = arith.muli %add3A, %mul3A_3 : i32
    %dma_start3A = arith.constant 0 : i32
    %dma_start3A_5 = tpu.memref_slice %arg2[%mul3A_4, %dma_start3A] : memref<2048x100xi32, #tpu.memory_space<hbm>> -> memref<64x100xi32, #tpu.memory_space<hbm>>
    %dma_start3A_6 = arith.constant 0 : i32
    %dma_start3A_7 = tpu.memref_slice %arg2[%mul3A_4, %dma_start3A_6] : memref<2048x100xi32, #tpu.memory_space<hbm>> -> memref<64x100xi32, #tpu.memory_space<hbm>>
    tpu.enqueue_dma source(%dma_start3A_7 : memref<64x100xi32, #tpu.memory_space<hbm>>) target(%arg5 : memref<64x100xi32, #tpu.memory_space<vmem>>) target_semaphore(%arg7 : memref<!tpu.dma_semaphore, #tpu.memory_space<semaphore_mem>>)
    %dma_wait3A = arith.constant 0 : i32
    %dma_wait3A_8 = tpu.memref_slice %arg2[%mul3A_4, %dma_wait3A] : memref<2048x100xi32, #tpu.memory_space<hbm>> -> memref<64x100xi32, #tpu.memory_space<hbm>>
    %dma_wait3A_9 = arith.constant 0 : i32
    %dma_wait3A_10 = tpu.memref_slice %arg2[%mul3A_4, %dma_wait3A_9] : memref<2048x100xi32, #tpu.memory_space<hbm>> -> memref<64x100xi32, #tpu.memory_space<hbm>>
    tpu.wait_dma2 semaphore(%arg7 : memref<!tpu.dma_semaphore, #tpu.memory_space<semaphore_mem>>) src(%dma_wait3A_10 : memref<64x100xi32, #tpu.memory_space<hbm>>) dst(%arg5 : memref<64x100xi32, #tpu.memory_space<vmem>>)
    %dma_start3A_11 = arith.constant 0 : i32
    %dma_start3A_12 = arith.constant 0 : i32
    %dma_start3A_13 = arith.constant 0 : i32
    %dma_start3A_14 = arith.constant 0 : i32
    %dma_start3A_15 = tpu.memref_slice %arg6[%dma_start3A_12, %dma_start3A_13, %dma_start3A_14] : memref<4x100x64xf32, #tpu.memory_space<vmem>> -> memref<1x100x64xf32, #tpu.memory_space<vmem>>
    %dma_start3A_16 = tpu.memref_squeeze %dma_start3A_15 : memref<1x100x64xf32, #tpu.memory_space<vmem>> -> memref<100x64xf32, #tpu.memory_space<vmem>>
    %dma_start3A_17 = arith.constant 0 : i32
    %dma_start3A_18 = tpu.memref_slice %arg5[%dma_start3A_11, %dma_start3A_17] : memref<64x100xi32, #tpu.memory_space<vmem>> -> memref<1x100xi32, #tpu.memory_space<vmem>>
    %dma_start3A_19 = tpu.memref_squeeze %dma_start3A_18 : memref<1x100xi32, #tpu.memory_space<vmem>> -> memref<100xi32, #tpu.memory_space<vmem>>
    %dma_start3A_20 = arith.constant 0 : i32
    %dma_start3A_21 = arith.constant 0 : i32
    %dma_start3A_22 = tpu.memref_slice %arg3[%dma_start3A_20, %dma_start3A_21] : memref<100000x64xf32, #tpu.memory_space<hbm>> -> memref<100000x64xf32, #tpu.memory_space<hbm>>
    tpu.enqueue_indirect_dma source(%dma_start3A_22 : memref<100000x64xf32, #tpu.memory_space<hbm>>) target(%dma_start3A_16 : memref<100x64xf32, #tpu.memory_space<vmem>>) offsets(%dma_start3A_19 : memref<100xi32, #tpu.memory_space<vmem>>) semaphore(%arg8 : memref<!tpu.dma_semaphore, #tpu.memory_space<semaphore_mem>>)
    %dma_start3A_23 = arith.constant 1 : i32
    %dma_start3A_24 = arith.constant 1 : i32
    %dma_start3A_25 = arith.constant 0 : i32
    %dma_start3A_26 = arith.constant 0 : i32
    %dma_start3A_27 = tpu.memref_slice %arg6[%dma_start3A_24, %dma_start3A_25, %dma_start3A_26] : memref<4x100x64xf32, #tpu.memory_space<vmem>> -> memref<1x100x64xf32, #tpu.memory_space<vmem>>
    %dma_start3A_28 = tpu.memref_squeeze %dma_start3A_27 : memref<1x100x64xf32, #tpu.memory_space<vmem>> -> memref<100x64xf32, #tpu.memory_space<vmem>>
    %dma_start3A_29 = arith.constant 0 : i32
    %dma_start3A_30 = tpu.memref_slice %arg5[%dma_start3A_23, %dma_start3A_29] : memref<64x100xi32, #tpu.memory_space<vmem>> -> memref<1x100xi32, #tpu.memory_space<vmem>>
    %dma_start3A_31 = tpu.memref_squeeze %dma_start3A_30 : memref<1x100xi32, #tpu.memory_space<vmem>> -> memref<100xi32, #tpu.memory_space<vmem>>
    %dma_start3A_32 = arith.constant 0 : i32
    %dma_start3A_33 = arith.constant 0 : i32
    %dma_start3A_34 = tpu.memref_slice %arg3[%dma_start3A_32, %dma_start3A_33] : memref<100000x64xf32, #tpu.memory_space<hbm>> -> memref<100000x64xf32, #tpu.memory_space<hbm>>
    tpu.enqueue_indirect_dma source(%dma_start3A_34 : memref<100000x64xf32, #tpu.memory_space<hbm>>) target(%dma_start3A_28 : memref<100x64xf32, #tpu.memory_space<vmem>>) offsets(%dma_start3A_31 : memref<100xi32, #tpu.memory_space<vmem>>) semaphore(%arg9 : memref<!tpu.dma_semaphore, #tpu.memory_space<semaphore_mem>>)
    %scan3A = arith.constant 0 : i32
    %scan3A_35 = arith.constant 0 : i32
    %scan3A_36 = arith.constant 16 : i32
    %scan3A_37 = arith.addi %scan3A_35, %scan3A_36 : i32
    %scan3A_38 = arith.constant 1 : i32
    scf.for %scan3A_116 = %scan3A_35 to %scan3A_37 step %scan3A_38  : i32 {
      %mul3A_117 = arith.constant 4 : i32
      %mul3A_118 = arith.muli %scan3A_116, %mul3A_117 : i32
      %add3A_119 = arith.constant 0 : i32
      %add3A_120 = arith.addi %mul3A_118, %add3A_119 : i32
      %ge3A = arith.constant 2 : i32
      %ge3A_121 = arith.cmpi sge, %add3A_120, %ge3A : i32
      %convert_element_type3A = arith.extui %ge3A_121 : i1 to i32
      %cond3A = arith.constant 0 : i32
      %cond3A_122 = arith.cmpi ne, %convert_element_type3A, %cond3A : i32
      scf.if %cond3A_122 {
        %sub3A = arith.constant 2 : i32
        %sub3A_371 = arith.subi %add3A_120, %sub3A : i32
        %mul3A_372 = arith.constant 2 : i32
        %mul3A_373 = arith.muli %mul3A_372, %sub3A_371 : i32
        %add3A_374 = arith.addi %mul3A_2, %mul3A_373 : i32
        %dma_wait3A_375 = arith.constant 2 : i32
        %dma_wait3A_376 = arith.constant 0 : i32
        %dma_wait3A_377 = arith.constant 0 : i32
        %dma_wait3A_378 = tpu.memref_slice %arg6[%dma_wait3A_375, %dma_wait3A_376, %dma_wait3A_377] : memref<4x100x64xf32, #tpu.memory_space<vmem>> -> memref<1x50x64xf32, #tpu.memory_space<vmem>>
        %dma_wait3A_379 = tpu.memref_squeeze %dma_wait3A_378 : memref<1x50x64xf32, #tpu.memory_space<vmem>> -> memref<50x64xf32, #tpu.memory_space<vmem>>
        %dma_wait3A_380 = arith.constant 0 : i32
        %dma_wait3A_381 = arith.constant 0 : i32
        %dma_wait3A_382 = tpu.memref_slice %arg4[%add3A_374, %dma_wait3A_380, %dma_wait3A_381] : memref<4096x56x128xf32, #tpu.memory_space<hbm>> -> memref<1x50x64xf32, #tpu.memory_space<hbm>>
        %dma_wait3A_383 = tpu.memref_squeeze %dma_wait3A_382 : memref<1x50x64xf32, #tpu.memory_space<hbm>> -> memref<50x64xf32, #tpu.memory_space<hbm>>
        %dma_wait3A_384 = arith.constant 0 : i32
        %dma_wait3A_385 = arith.constant 0 : i32
        %dma_wait3A_386 = tpu.memref_slice %arg4[%add3A_374, %dma_wait3A_384, %dma_wait3A_385] : memref<4096x56x128xf32, #tpu.memory_space<hbm>> -> memref<1x50x64xf32, #tpu.memory_space<hbm>>
        %dma_wait3A_387 = tpu.memref_squeeze %dma_wait3A_386 : memref<1x50x64xf32, #tpu.memory_space<hbm>> -> memref<50x64xf32, #tpu.memory_space<hbm>>
        %dma_wait3A_388 = arith.constant 0 : i32
        %dma_wait3A_389 = arith.constant 0 : i32
        %dma_wait3A_390 = tpu.memref_slice %arg6[%dma_wait3A_375, %dma_wait3A_388, %dma_wait3A_389] : memref<4x100x64xf32, #tpu.memory_space<vmem>> -> memref<1x50x64xf32, #tpu.memory_space<vmem>>
        %dma_wait3A_391 = tpu.memref_squeeze %dma_wait3A_390 : memref<1x50x64xf32, #tpu.memory_space<vmem>> -> memref<50x64xf32, #tpu.memory_space<vmem>>
        tpu.wait_dma2 semaphore(%arg14 : memref<!tpu.dma_semaphore, #tpu.memory_space<semaphore_mem>>) src(%dma_wait3A_391 : memref<50x64xf32, #tpu.memory_space<vmem>>) dst(%dma_wait3A_387 : memref<50x64xf32, #tpu.memory_space<hbm>>)
        %add3A_392 = arith.constant 1 : i32
        %add3A_393 = arith.addi %add3A_374, %add3A_392 : i32
        %dma_wait3A_394 = arith.constant 2 : i32
        %dma_wait3A_395 = arith.constant 50 : i32
        %dma_wait3A_396 = arith.constant 0 : i32
        %dma_wait3A_397 = tpu.memref_slice %arg6[%dma_wait3A_394, %dma_wait3A_395, %dma_wait3A_396] : memref<4x100x64xf32, #tpu.memory_space<vmem>> -> memref<1x50x64xf32, #tpu.memory_space<vmem>>
        %dma_wait3A_398 = tpu.memref_squeeze %dma_wait3A_397 : memref<1x50x64xf32, #tpu.memory_space<vmem>> -> memref<50x64xf32, #tpu.memory_space<vmem>>
        %dma_wait3A_399 = arith.constant 0 : i32
        %dma_wait3A_400 = arith.constant 0 : i32
        %dma_wait3A_401 = tpu.memref_slice %arg4[%add3A_393, %dma_wait3A_399, %dma_wait3A_400] : memref<4096x56x128xf32, #tpu.memory_space<hbm>> -> memref<1x50x64xf32, #tpu.memory_space<hbm>>
        %dma_wait3A_402 = tpu.memref_squeeze %dma_wait3A_401 : memref<1x50x64xf32, #tpu.memory_space<hbm>> -> memref<50x64xf32, #tpu.memory_space<hbm>>
        %dma_wait3A_403 = arith.constant 0 : i32
        %dma_wait3A_404 = arith.constant 0 : i32
        %dma_wait3A_405 = tpu.memref_slice %arg4[%add3A_393, %dma_wait3A_403, %dma_wait3A_404] : memref<4096x56x128xf32, #tpu.memory_space<hbm>> -> memref<1x50x64xf32, #tpu.memory_space<hbm>>
        %dma_wait3A_406 = tpu.memref_squeeze %dma_wait3A_405 : memref<1x50x64xf32, #tpu.memory_space<hbm>> -> memref<50x64xf32, #tpu.memory_space<hbm>>
        %dma_wait3A_407 = arith.constant 50 : i32
        %dma_wait3A_408 = arith.constant 0 : i32
        %dma_wait3A_409 = tpu.memref_slice %arg6[%dma_wait3A_394, %dma_wait3A_407, %dma_wait3A_408] : memref<4x100x64xf32, #tpu.memory_space<vmem>> -> memref<1x50x64xf32, #tpu.memory_space<vmem>>
        %dma_wait3A_410 = tpu.memref_squeeze %dma_wait3A_409 : memref<1x50x64xf32, #tpu.memory_space<vmem>> -> memref<50x64xf32, #tpu.memory_space<vmem>>
        tpu.wait_dma2 semaphore(%arg14 : memref<!tpu.dma_semaphore, #tpu.memory_space<semaphore_mem>>) src(%dma_wait3A_410 : memref<50x64xf32, #tpu.memory_space<vmem>>) dst(%dma_wait3A_406 : memref<50x64xf32, #tpu.memory_space<hbm>>)
      } else {
      }
      %add3A_123 = arith.constant 2 : i32
      %add3A_124 = arith.addi %add3A_120, %add3A_123 : i32
      %lt3A = arith.constant 64 : i32
      %lt3A_125 = arith.cmpi slt, %add3A_124, %lt3A : i32
      %convert_element_type3A_126 = arith.extui %lt3A_125 : i1 to i32
      %cond3A_127 = arith.constant 0 : i32
      %cond3A_128 = arith.cmpi ne, %convert_element_type3A_126, %cond3A_127 : i32
      scf.if %cond3A_128 {
        %add3A_371 = arith.constant 2 : i32
        %add3A_372 = arith.addi %add3A_120, %add3A_371 : i32
        %dma_start3A_373 = arith.constant 2 : i32
        %dma_start3A_374 = arith.constant 0 : i32
        %dma_start3A_375 = arith.constant 0 : i32
        %dma_start3A_376 = tpu.memref_slice %arg6[%dma_start3A_373, %dma_start3A_374, %dma_start3A_375] : memref<4x100x64xf32, #tpu.memory_space<vmem>> -> memref<1x100x64xf32, #tpu.memory_space<vmem>>
        %dma_start3A_377 = tpu.memref_squeeze %dma_start3A_376 : memref<1x100x64xf32, #tpu.memory_space<vmem>> -> memref<100x64xf32, #tpu.memory_space<vmem>>
        %dma_start3A_378 = arith.constant 0 : i32
        %dma_start3A_379 = tpu.memref_slice %arg5[%add3A_372, %dma_start3A_378] : memref<64x100xi32, #tpu.memory_space<vmem>> -> memref<1x100xi32, #tpu.memory_space<vmem>>
        %dma_start3A_380 = tpu.memref_squeeze %dma_start3A_379 : memref<1x100xi32, #tpu.memory_space<vmem>> -> memref<100xi32, #tpu.memory_space<vmem>>
        %dma_start3A_381 = arith.constant 0 : i32
        %dma_start3A_382 = arith.constant 0 : i32
        %dma_start3A_383 = tpu.memref_slice %arg3[%dma_start3A_381, %dma_start3A_382] : memref<100000x64xf32, #tpu.memory_space<hbm>> -> memref<100000x64xf32, #tpu.memory_space<hbm>>
        tpu.enqueue_indirect_dma source(%dma_start3A_383 : memref<100000x64xf32, #tpu.memory_space<hbm>>) target(%dma_start3A_377 : memref<100x64xf32, #tpu.memory_space<vmem>>) offsets(%dma_start3A_380 : memref<100xi32, #tpu.memory_space<vmem>>) semaphore(%arg10 : memref<!tpu.dma_semaphore, #tpu.memory_space<semaphore_mem>>)
      } else {
      }
      %dma_wait3A_129 = arith.constant 0 : i32
      %dma_wait3A_130 = arith.constant 0 : i32
      %dma_wait3A_131 = arith.constant 0 : i32
      %dma_wait3A_132 = tpu.memref_slice %arg6[%dma_wait3A_129, %dma_wait3A_130, %dma_wait3A_131] : memref<4x100x64xf32, #tpu.memory_space<vmem>> -> memref<1x100x64xf32, #tpu.memory_space<vmem>>
      %dma_wait3A_133 = tpu.memref_squeeze %dma_wait3A_132 : memref<1x100x64xf32, #tpu.memory_space<vmem>> -> memref<100x64xf32, #tpu.memory_space<vmem>>
      %dma_wait3A_134 = arith.constant 0 : i32
      %dma_wait3A_135 = tpu.memref_slice %arg5[%add3A_120, %dma_wait3A_134] : memref<64x100xi32, #tpu.memory_space<vmem>> -> memref<1x100xi32, #tpu.memory_space<vmem>>
      %dma_wait3A_136 = tpu.memref_squeeze %dma_wait3A_135 : memref<1x100xi32, #tpu.memory_space<vmem>> -> memref<100xi32, #tpu.memory_space<vmem>>
      %dma_wait3A_137 = arith.constant 0 : i32
      %dma_wait3A_138 = arith.constant 0 : i32
      %dma_wait3A_139 = tpu.memref_slice %arg3[%dma_wait3A_137, %dma_wait3A_138] : memref<100000x64xf32, #tpu.memory_space<hbm>> -> memref<100000x64xf32, #tpu.memory_space<hbm>>
      tpu.wait_indirect_dma semaphore(%arg8 : memref<!tpu.dma_semaphore, #tpu.memory_space<semaphore_mem>>) src(%dma_wait3A_139 : memref<100000x64xf32, #tpu.memory_space<hbm>>) dst(%dma_wait3A_133 : memref<100x64xf32, #tpu.memory_space<vmem>>)
      %mul3A_140 = arith.constant 2 : i32
      %mul3A_141 = arith.muli %mul3A_140, %add3A_120 : i32
      %add3A_142 = arith.addi %mul3A_2, %mul3A_141 : i32
      %dma_start3A_143 = arith.constant 0 : i32
      %dma_start3A_144 = arith.constant 0 : i32
      %dma_start3A_145 = arith.constant 0 : i32
      %dma_start3A_146 = tpu.memref_slice %arg6[%dma_start3A_143, %dma_start3A_144, %dma_start3A_145] : memref<4x100x64xf32, #tpu.memory_space<vmem>> -> memref<1x50x64xf32, #tpu.memory_space<vmem>>
      %dma_start3A_147 = tpu.memref_squeeze %dma_start3A_146 : memref<1x50x64xf32, #tpu.memory_space<vmem>> -> memref<50x64xf32, #tpu.memory_space<vmem>>
      %dma_start3A_148 = arith.constant 0 : i32
      %dma_start3A_149 = arith.constant 0 : i32
      %dma_start3A_150 = tpu.memref_slice %arg4[%add3A_142, %dma_start3A_148, %dma_start3A_149] : memref<4096x56x128xf32, #tpu.memory_space<hbm>> -> memref<1x50x64xf32, #tpu.memory_space<hbm>>
      %dma_start3A_151 = tpu.memref_squeeze %dma_start3A_150 : memref<1x50x64xf32, #tpu.memory_space<hbm>> -> memref<50x64xf32, #tpu.memory_space<hbm>>
      %dma_start3A_152 = arith.constant 0 : i32
      %dma_start3A_153 = arith.constant 0 : i32
      %dma_start3A_154 = tpu.memref_slice %arg4[%add3A_142, %dma_start3A_152, %dma_start3A_153] : memref<4096x56x128xf32, #tpu.memory_space<hbm>> -> memref<1x50x64xf32, #tpu.memory_space<hbm>>
      %dma_start3A_155 = tpu.memref_squeeze %dma_start3A_154 : memref<1x50x64xf32, #tpu.memory_space<hbm>> -> memref<50x64xf32, #tpu.memory_space<hbm>>
      %dma_start3A_156 = arith.constant 0 : i32
      %dma_start3A_157 = arith.constant 0 : i32
      %dma_start3A_158 = tpu.memref_slice %arg6[%dma_start3A_143, %dma_start3A_156, %dma_start3A_157] : memref<4x100x64xf32, #tpu.memory_space<vmem>> -> memref<1x50x64xf32, #tpu.memory_space<vmem>>
      %dma_start3A_159 = tpu.memref_squeeze %dma_start3A_158 : memref<1x50x64xf32, #tpu.memory_space<vmem>> -> memref<50x64xf32, #tpu.memory_space<vmem>>
      tpu.enqueue_dma source(%dma_start3A_159 : memref<50x64xf32, #tpu.memory_space<vmem>>) target(%dma_start3A_155 : memref<50x64xf32, #tpu.memory_space<hbm>>) target_semaphore(%arg12 : memref<!tpu.dma_semaphore, #tpu.memory_space<semaphore_mem>>)
      %add3A_160 = arith.constant 1 : i32
      %add3A_161 = arith.addi %add3A_142, %add3A_160 : i32
      %dma_start3A_162 = arith.constant 0 : i32
      %dma_start3A_163 = arith.constant 50 : i32
      %dma_start3A_164 = arith.constant 0 : i32
      %dma_start3A_165 = tpu.memref_slice %arg6[%dma_start3A_162, %dma_start3A_163, %dma_start3A_164] : memref<4x100x64xf32, #tpu.memory_space<vmem>> -> memref<1x50x64xf32, #tpu.memory_space<vmem>>
      %dma_start3A_166 = tpu.memref_squeeze %dma_start3A_165 : memref<1x50x64xf32, #tpu.memory_space<vmem>> -> memref<50x64xf32, #tpu.memory_space<vmem>>
      %dma_start3A_167 = arith.constant 0 : i32
      %dma_start3A_168 = arith.constant 0 : i32
      %dma_start3A_169 = tpu.memref_slice %arg4[%add3A_161, %dma_start3A_167, %dma_start3A_168] : memref<4096x56x128xf32, #tpu.memory_space<hbm>> -> memref<1x50x64xf32, #tpu.memory_space<hbm>>
      %dma_start3A_170 = tpu.memref_squeeze %dma_start3A_169 : memref<1x50x64xf32, #tpu.memory_space<hbm>> -> memref<50x64xf32, #tpu.memory_space<hbm>>
      %dma_start3A_171 = arith.constant 0 : i32
      %dma_start3A_172 = arith.constant 0 : i32
      %dma_start3A_173 = tpu.memref_slice %arg4[%add3A_161, %dma_start3A_171, %dma_start3A_172] : memref<4096x56x128xf32, #tpu.memory_space<hbm>> -> memref<1x50x64xf32, #tpu.memory_space<hbm>>
      %dma_start3A_174 = tpu.memref_squeeze %dma_start3A_173 : memref<1x50x64xf32, #tpu.memory_space<hbm>> -> memref<50x64xf32, #tpu.memory_space<hbm>>
      %dma_start3A_175 = arith.constant 50 : i32
      %dma_start3A_176 = arith.constant 0 : i32
      %dma_start3A_177 = tpu.memref_slice %arg6[%dma_start3A_162, %dma_start3A_175, %dma_start3A_176] : memref<4x100x64xf32, #tpu.memory_space<vmem>> -> memref<1x50x64xf32, #tpu.memory_space<vmem>>
      %dma_start3A_178 = tpu.memref_squeeze %dma_start3A_177 : memref<1x50x64xf32, #tpu.memory_space<vmem>> -> memref<50x64xf32, #tpu.memory_space<vmem>>
      tpu.enqueue_dma source(%dma_start3A_178 : memref<50x64xf32, #tpu.memory_space<vmem>>) target(%dma_start3A_174 : memref<50x64xf32, #tpu.memory_space<hbm>>) target_semaphore(%arg12 : memref<!tpu.dma_semaphore, #tpu.memory_space<semaphore_mem>>)
      %add3A_179 = arith.constant 1 : i32
      %add3A_180 = arith.addi %mul3A_118, %add3A_179 : i32
      %ge3A_181 = arith.constant 2 : i32
      %ge3A_182 = arith.cmpi sge, %add3A_180, %ge3A_181 : i32
      %convert_element_type3A_183 = arith.extui %ge3A_182 : i1 to i32
      %cond3A_184 = arith.constant 0 : i32
      %cond3A_185 = arith.cmpi ne, %convert_element_type3A_183, %cond3A_184 : i32
      scf.if %cond3A_185 {
        %sub3A = arith.constant 2 : i32
        %sub3A_371 = arith.subi %add3A_180, %sub3A : i32
        %mul3A_372 = arith.constant 2 : i32
        %mul3A_373 = arith.muli %mul3A_372, %sub3A_371 : i32
        %add3A_374 = arith.addi %mul3A_2, %mul3A_373 : i32
        %dma_wait3A_375 = arith.constant 3 : i32
        %dma_wait3A_376 = arith.constant 0 : i32
        %dma_wait3A_377 = arith.constant 0 : i32
        %dma_wait3A_378 = tpu.memref_slice %arg6[%dma_wait3A_375, %dma_wait3A_376, %dma_wait3A_377] : memref<4x100x64xf32, #tpu.memory_space<vmem>> -> memref<1x50x64xf32, #tpu.memory_space<vmem>>
        %dma_wait3A_379 = tpu.memref_squeeze %dma_wait3A_378 : memref<1x50x64xf32, #tpu.memory_space<vmem>> -> memref<50x64xf32, #tpu.memory_space<vmem>>
        %dma_wait3A_380 = arith.constant 0 : i32
        %dma_wait3A_381 = arith.constant 0 : i32
        %dma_wait3A_382 = tpu.memref_slice %arg4[%add3A_374, %dma_wait3A_380, %dma_wait3A_381] : memref<4096x56x128xf32, #tpu.memory_space<hbm>> -> memref<1x50x64xf32, #tpu.memory_space<hbm>>
        %dma_wait3A_383 = tpu.memref_squeeze %dma_wait3A_382 : memref<1x50x64xf32, #tpu.memory_space<hbm>> -> memref<50x64xf32, #tpu.memory_space<hbm>>
        %dma_wait3A_384 = arith.constant 0 : i32
        %dma_wait3A_385 = arith.constant 0 : i32
        %dma_wait3A_386 = tpu.memref_slice %arg4[%add3A_374, %dma_wait3A_384, %dma_wait3A_385] : memref<4096x56x128xf32, #tpu.memory_space<hbm>> -> memref<1x50x64xf32, #tpu.memory_space<hbm>>
        %dma_wait3A_387 = tpu.memref_squeeze %dma_wait3A_386 : memref<1x50x64xf32, #tpu.memory_space<hbm>> -> memref<50x64xf32, #tpu.memory_space<hbm>>
        %dma_wait3A_388 = arith.constant 0 : i32
        %dma_wait3A_389 = arith.constant 0 : i32
        %dma_wait3A_390 = tpu.memref_slice %arg6[%dma_wait3A_375, %dma_wait3A_388, %dma_wait3A_389] : memref<4x100x64xf32, #tpu.memory_space<vmem>> -> memref<1x50x64xf32, #tpu.memory_space<vmem>>
        %dma_wait3A_391 = tpu.memref_squeeze %dma_wait3A_390 : memref<1x50x64xf32, #tpu.memory_space<vmem>> -> memref<50x64xf32, #tpu.memory_space<vmem>>
        tpu.wait_dma2 semaphore(%arg15 : memref<!tpu.dma_semaphore, #tpu.memory_space<semaphore_mem>>) src(%dma_wait3A_391 : memref<50x64xf32, #tpu.memory_space<vmem>>) dst(%dma_wait3A_387 : memref<50x64xf32, #tpu.memory_space<hbm>>)
        %add3A_392 = arith.constant 1 : i32
        %add3A_393 = arith.addi %add3A_374, %add3A_392 : i32
        %dma_wait3A_394 = arith.constant 3 : i32
        %dma_wait3A_395 = arith.constant 50 : i32
        %dma_wait3A_396 = arith.constant 0 : i32
        %dma_wait3A_397 = tpu.memref_slice %arg6[%dma_wait3A_394, %dma_wait3A_395, %dma_wait3A_396] : memref<4x100x64xf32, #tpu.memory_space<vmem>> -> memref<1x50x64xf32, #tpu.memory_space<vmem>>
        %dma_wait3A_398 = tpu.memref_squeeze %dma_wait3A_397 : memref<1x50x64xf32, #tpu.memory_space<vmem>> -> memref<50x64xf32, #tpu.memory_space<vmem>>
        %dma_wait3A_399 = arith.constant 0 : i32
        %dma_wait3A_400 = arith.constant 0 : i32
        %dma_wait3A_401 = tpu.memref_slice %arg4[%add3A_393, %dma_wait3A_399, %dma_wait3A_400] : memref<4096x56x128xf32, #tpu.memory_space<hbm>> -> memref<1x50x64xf32, #tpu.memory_space<hbm>>
        %dma_wait3A_402 = tpu.memref_squeeze %dma_wait3A_401 : memref<1x50x64xf32, #tpu.memory_space<hbm>> -> memref<50x64xf32, #tpu.memory_space<hbm>>
        %dma_wait3A_403 = arith.constant 0 : i32
        %dma_wait3A_404 = arith.constant 0 : i32
        %dma_wait3A_405 = tpu.memref_slice %arg4[%add3A_393, %dma_wait3A_403, %dma_wait3A_404] : memref<4096x56x128xf32, #tpu.memory_space<hbm>> -> memref<1x50x64xf32, #tpu.memory_space<hbm>>
        %dma_wait3A_406 = tpu.memref_squeeze %dma_wait3A_405 : memref<1x50x64xf32, #tpu.memory_space<hbm>> -> memref<50x64xf32, #tpu.memory_space<hbm>>
        %dma_wait3A_407 = arith.constant 50 : i32
        %dma_wait3A_408 = arith.constant 0 : i32
        %dma_wait3A_409 = tpu.memref_slice %arg6[%dma_wait3A_394, %dma_wait3A_407, %dma_wait3A_408] : memref<4x100x64xf32, #tpu.memory_space<vmem>> -> memref<1x50x64xf32, #tpu.memory_space<vmem>>
        %dma_wait3A_410 = tpu.memref_squeeze %dma_wait3A_409 : memref<1x50x64xf32, #tpu.memory_space<vmem>> -> memref<50x64xf32, #tpu.memory_space<vmem>>
        tpu.wait_dma2 semaphore(%arg15 : memref<!tpu.dma_semaphore, #tpu.memory_space<semaphore_mem>>) src(%dma_wait3A_410 : memref<50x64xf32, #tpu.memory_space<vmem>>) dst(%dma_wait3A_406 : memref<50x64xf32, #tpu.memory_space<hbm>>)
      } else {
      }
      %add3A_186 = arith.constant 2 : i32
      %add3A_187 = arith.addi %add3A_180, %add3A_186 : i32
      %lt3A_188 = arith.constant 64 : i32
      %lt3A_189 = arith.cmpi slt, %add3A_187, %lt3A_188 : i32
      %convert_element_type3A_190 = arith.extui %lt3A_189 : i1 to i32
      %cond3A_191 = arith.constant 0 : i32
      %cond3A_192 = arith.cmpi ne, %convert_element_type3A_190, %cond3A_191 : i32
      scf.if %cond3A_192 {
        %add3A_371 = arith.constant 2 : i32
        %add3A_372 = arith.addi %add3A_180, %add3A_371 : i32
        %dma_start3A_373 = arith.constant 3 : i32
        %dma_start3A_374 = arith.constant 0 : i32
        %dma_start3A_375 = arith.constant 0 : i32
        %dma_start3A_376 = tpu.memref_slice %arg6[%dma_start3A_373, %dma_start3A_374, %dma_start3A_375] : memref<4x100x64xf32, #tpu.memory_space<vmem>> -> memref<1x100x64xf32, #tpu.memory_space<vmem>>
        %dma_start3A_377 = tpu.memref_squeeze %dma_start3A_376 : memref<1x100x64xf32, #tpu.memory_space<vmem>> -> memref<100x64xf32, #tpu.memory_space<vmem>>
        %dma_start3A_378 = arith.constant 0 : i32
        %dma_start3A_379 = tpu.memref_slice %arg5[%add3A_372, %dma_start3A_378] : memref<64x100xi32, #tpu.memory_space<vmem>> -> memref<1x100xi32, #tpu.memory_space<vmem>>
        %dma_start3A_380 = tpu.memref_squeeze %dma_start3A_379 : memref<1x100xi32, #tpu.memory_space<vmem>> -> memref<100xi32, #tpu.memory_space<vmem>>
        %dma_start3A_381 = arith.constant 0 : i32
        %dma_start3A_382 = arith.constant 0 : i32
        %dma_start3A_383 = tpu.memref_slice %arg3[%dma_start3A_381, %dma_start3A_382] : memref<100000x64xf32, #tpu.memory_space<hbm>> -> memref<100000x64xf32, #tpu.memory_space<hbm>>
        tpu.enqueue_indirect_dma source(%dma_start3A_383 : memref<100000x64xf32, #tpu.memory_space<hbm>>) target(%dma_start3A_377 : memref<100x64xf32, #tpu.memory_space<vmem>>) offsets(%dma_start3A_380 : memref<100xi32, #tpu.memory_space<vmem>>) semaphore(%arg11 : memref<!tpu.dma_semaphore, #tpu.memory_space<semaphore_mem>>)
      } else {
      }
      %dma_wait3A_193 = arith.constant 1 : i32
      %dma_wait3A_194 = arith.constant 0 : i32
      %dma_wait3A_195 = arith.constant 0 : i32
      %dma_wait3A_196 = tpu.memref_slice %arg6[%dma_wait3A_193, %dma_wait3A_194, %dma_wait3A_195] : memref<4x100x64xf32, #tpu.memory_space<vmem>> -> memref<1x100x64xf32, #tpu.memory_space<vmem>>
      %dma_wait3A_197 = tpu.memref_squeeze %dma_wait3A_196 : memref<1x100x64xf32, #tpu.memory_space<vmem>> -> memref<100x64xf32, #tpu.memory_space<vmem>>
      %dma_wait3A_198 = arith.constant 0 : i32
      %dma_wait3A_199 = tpu.memref_slice %arg5[%add3A_180, %dma_wait3A_198] : memref<64x100xi32, #tpu.memory_space<vmem>> -> memref<1x100xi32, #tpu.memory_space<vmem>>
      %dma_wait3A_200 = tpu.memref_squeeze %dma_wait3A_199 : memref<1x100xi32, #tpu.memory_space<vmem>> -> memref<100xi32, #tpu.memory_space<vmem>>
      %dma_wait3A_201 = arith.constant 0 : i32
      %dma_wait3A_202 = arith.constant 0 : i32
      %dma_wait3A_203 = tpu.memref_slice %arg3[%dma_wait3A_201, %dma_wait3A_202] : memref<100000x64xf32, #tpu.memory_space<hbm>> -> memref<100000x64xf32, #tpu.memory_space<hbm>>
      tpu.wait_indirect_dma semaphore(%arg9 : memref<!tpu.dma_semaphore, #tpu.memory_space<semaphore_mem>>) src(%dma_wait3A_203 : memref<100000x64xf32, #tpu.memory_space<hbm>>) dst(%dma_wait3A_197 : memref<100x64xf32, #tpu.memory_space<vmem>>)
      %mul3A_204 = arith.constant 2 : i32
      %mul3A_205 = arith.muli %mul3A_204, %add3A_180 : i32
      %add3A_206 = arith.addi %mul3A_2, %mul3A_205 : i32
      %dma_start3A_207 = arith.constant 1 : i32
      %dma_start3A_208 = arith.constant 0 : i32
      %dma_start3A_209 = arith.constant 0 : i32
      %dma_start3A_210 = tpu.memref_slice %arg6[%dma_start3A_207, %dma_start3A_208, %dma_start3A_209] : memref<4x100x64xf32, #tpu.memory_space<vmem>> -> memref<1x50x64xf32, #tpu.memory_space<vmem>>
      %dma_start3A_211 = tpu.memref_squeeze %dma_start3A_210 : memref<1x50x64xf32, #tpu.memory_space<vmem>> -> memref<50x64xf32, #tpu.memory_space<vmem>>
      %dma_start3A_212 = arith.constant 0 : i32
      %dma_start3A_213 = arith.constant 0 : i32
      %dma_start3A_214 = tpu.memref_slice %arg4[%add3A_206, %dma_start3A_212, %dma_start3A_213] : memref<4096x56x128xf32, #tpu.memory_space<hbm>> -> memref<1x50x64xf32, #tpu.memory_space<hbm>>
      %dma_start3A_215 = tpu.memref_squeeze %dma_start3A_214 : memref<1x50x64xf32, #tpu.memory_space<hbm>> -> memref<50x64xf32, #tpu.memory_space<hbm>>
      %dma_start3A_216 = arith.constant 0 : i32
      %dma_start3A_217 = arith.constant 0 : i32
      %dma_start3A_218 = tpu.memref_slice %arg4[%add3A_206, %dma_start3A_216, %dma_start3A_217] : memref<4096x56x128xf32, #tpu.memory_space<hbm>> -> memref<1x50x64xf32, #tpu.memory_space<hbm>>
      %dma_start3A_219 = tpu.memref_squeeze %dma_start3A_218 : memref<1x50x64xf32, #tpu.memory_space<hbm>> -> memref<50x64xf32, #tpu.memory_space<hbm>>
      %dma_start3A_220 = arith.constant 0 : i32
      %dma_start3A_221 = arith.constant 0 : i32
      %dma_start3A_222 = tpu.memref_slice %arg6[%dma_start3A_207, %dma_start3A_220, %dma_start3A_221] : memref<4x100x64xf32, #tpu.memory_space<vmem>> -> memref<1x50x64xf32, #tpu.memory_space<vmem>>
      %dma_start3A_223 = tpu.memref_squeeze %dma_start3A_222 : memref<1x50x64xf32, #tpu.memory_space<vmem>> -> memref<50x64xf32, #tpu.memory_space<vmem>>
      tpu.enqueue_dma source(%dma_start3A_223 : memref<50x64xf32, #tpu.memory_space<vmem>>) target(%dma_start3A_219 : memref<50x64xf32, #tpu.memory_space<hbm>>) target_semaphore(%arg13 : memref<!tpu.dma_semaphore, #tpu.memory_space<semaphore_mem>>)
      %add3A_224 = arith.constant 1 : i32
      %add3A_225 = arith.addi %add3A_206, %add3A_224 : i32
      %dma_start3A_226 = arith.constant 1 : i32
      %dma_start3A_227 = arith.constant 50 : i32
      %dma_start3A_228 = arith.constant 0 : i32
      %dma_start3A_229 = tpu.memref_slice %arg6[%dma_start3A_226, %dma_start3A_227, %dma_start3A_228] : memref<4x100x64xf32, #tpu.memory_space<vmem>> -> memref<1x50x64xf32, #tpu.memory_space<vmem>>
      %dma_start3A_230 = tpu.memref_squeeze %dma_start3A_229 : memref<1x50x64xf32, #tpu.memory_space<vmem>> -> memref<50x64xf32, #tpu.memory_space<vmem>>
      %dma_start3A_231 = arith.constant 0 : i32
      %dma_start3A_232 = arith.constant 0 : i32
      %dma_start3A_233 = tpu.memref_slice %arg4[%add3A_225, %dma_start3A_231, %dma_start3A_232] : memref<4096x56x128xf32, #tpu.memory_space<hbm>> -> memref<1x50x64xf32, #tpu.memory_space<hbm>>
      %dma_start3A_234 = tpu.memref_squeeze %dma_start3A_233 : memref<1x50x64xf32, #tpu.memory_space<hbm>> -> memref<50x64xf32, #tpu.memory_space<hbm>>
      %dma_start3A_235 = arith.constant 0 : i32
      %dma_start3A_236 = arith.constant 0 : i32
      %dma_start3A_237 = tpu.memref_slice %arg4[%add3A_225, %dma_start3A_235, %dma_start3A_236] : memref<4096x56x128xf32, #tpu.memory_space<hbm>> -> memref<1x50x64xf32, #tpu.memory_space<hbm>>
      %dma_start3A_238 = tpu.memref_squeeze %dma_start3A_237 : memref<1x50x64xf32, #tpu.memory_space<hbm>> -> memref<50x64xf32, #tpu.memory_space<hbm>>
      %dma_start3A_239 = arith.constant 50 : i32
      %dma_start3A_240 = arith.constant 0 : i32
      %dma_start3A_241 = tpu.memref_slice %arg6[%dma_start3A_226, %dma_start3A_239, %dma_start3A_240] : memref<4x100x64xf32, #tpu.memory_space<vmem>> -> memref<1x50x64xf32, #tpu.memory_space<vmem>>
      %dma_start3A_242 = tpu.memref_squeeze %dma_start3A_241 : memref<1x50x64xf32, #tpu.memory_space<vmem>> -> memref<50x64xf32, #tpu.memory_space<vmem>>
      tpu.enqueue_dma source(%dma_start3A_242 : memref<50x64xf32, #tpu.memory_space<vmem>>) target(%dma_start3A_238 : memref<50x64xf32, #tpu.memory_space<hbm>>) target_semaphore(%arg13 : memref<!tpu.dma_semaphore, #tpu.memory_space<semaphore_mem>>)
      %add3A_243 = arith.constant 2 : i32
      %add3A_244 = arith.addi %mul3A_118, %add3A_243 : i32
      %ge3A_245 = arith.constant 2 : i32
      %ge3A_246 = arith.cmpi sge, %add3A_244, %ge3A_245 : i32
      %convert_element_type3A_247 = arith.extui %ge3A_246 : i1 to i32
      %cond3A_248 = arith.constant 0 : i32
      %cond3A_249 = arith.cmpi ne, %convert_element_type3A_247, %cond3A_248 : i32
      scf.if %cond3A_249 {
        %sub3A = arith.constant 2 : i32
        %sub3A_371 = arith.subi %add3A_244, %sub3A : i32
        %mul3A_372 = arith.constant 2 : i32
        %mul3A_373 = arith.muli %mul3A_372, %sub3A_371 : i32
        %add3A_374 = arith.addi %mul3A_2, %mul3A_373 : i32
        %dma_wait3A_375 = arith.constant 0 : i32
        %dma_wait3A_376 = arith.constant 0 : i32
        %dma_wait3A_377 = arith.constant 0 : i32
        %dma_wait3A_378 = tpu.memref_slice %arg6[%dma_wait3A_375, %dma_wait3A_376, %dma_wait3A_377] : memref<4x100x64xf32, #tpu.memory_space<vmem>> -> memref<1x50x64xf32, #tpu.memory_space<vmem>>
        %dma_wait3A_379 = tpu.memref_squeeze %dma_wait3A_378 : memref<1x50x64xf32, #tpu.memory_space<vmem>> -> memref<50x64xf32, #tpu.memory_space<vmem>>
        %dma_wait3A_380 = arith.constant 0 : i32
        %dma_wait3A_381 = arith.constant 0 : i32
        %dma_wait3A_382 = tpu.memref_slice %arg4[%add3A_374, %dma_wait3A_380, %dma_wait3A_381] : memref<4096x56x128xf32, #tpu.memory_space<hbm>> -> memref<1x50x64xf32, #tpu.memory_space<hbm>>
        %dma_wait3A_383 = tpu.memref_squeeze %dma_wait3A_382 : memref<1x50x64xf32, #tpu.memory_space<hbm>> -> memref<50x64xf32, #tpu.memory_space<hbm>>
        %dma_wait3A_384 = arith.constant 0 : i32
        %dma_wait3A_385 = arith.constant 0 : i32
        %dma_wait3A_386 = tpu.memref_slice %arg4[%add3A_374, %dma_wait3A_384, %dma_wait3A_385] : memref<4096x56x128xf32, #tpu.memory_space<hbm>> -> memref<1x50x64xf32, #tpu.memory_space<hbm>>
        %dma_wait3A_387 = tpu.memref_squeeze %dma_wait3A_386 : memref<1x50x64xf32, #tpu.memory_space<hbm>> -> memref<50x64xf32, #tpu.memory_space<hbm>>
        %dma_wait3A_388 = arith.constant 0 : i32
        %dma_wait3A_389 = arith.constant 0 : i32
        %dma_wait3A_390 = tpu.memref_slice %arg6[%dma_wait3A_375, %dma_wait3A_388, %dma_wait3A_389] : memref<4x100x64xf32, #tpu.memory_space<vmem>> -> memref<1x50x64xf32, #tpu.memory_space<vmem>>
        %dma_wait3A_391 = tpu.memref_squeeze %dma_wait3A_390 : memref<1x50x64xf32, #tpu.memory_space<vmem>> -> memref<50x64xf32, #tpu.memory_space<vmem>>
        tpu.wait_dma2 semaphore(%arg12 : memref<!tpu.dma_semaphore, #tpu.memory_space<semaphore_mem>>) src(%dma_wait3A_391 : memref<50x64xf32, #tpu.memory_space<vmem>>) dst(%dma_wait3A_387 : memref<50x64xf32, #tpu.memory_space<hbm>>)
        %add3A_392 = arith.constant 1 : i32
        %add3A_393 = arith.addi %add3A_374, %add3A_392 : i32
        %dma_wait3A_394 = arith.constant 0 : i32
        %dma_wait3A_395 = arith.constant 50 : i32
        %dma_wait3A_396 = arith.constant 0 : i32
        %dma_wait3A_397 = tpu.memref_slice %arg6[%dma_wait3A_394, %dma_wait3A_395, %dma_wait3A_396] : memref<4x100x64xf32, #tpu.memory_space<vmem>> -> memref<1x50x64xf32, #tpu.memory_space<vmem>>
        %dma_wait3A_398 = tpu.memref_squeeze %dma_wait3A_397 : memref<1x50x64xf32, #tpu.memory_space<vmem>> -> memref<50x64xf32, #tpu.memory_space<vmem>>
        %dma_wait3A_399 = arith.constant 0 : i32
        %dma_wait3A_400 = arith.constant 0 : i32
        %dma_wait3A_401 = tpu.memref_slice %arg4[%add3A_393, %dma_wait3A_399, %dma_wait3A_400] : memref<4096x56x128xf32, #tpu.memory_space<hbm>> -> memref<1x50x64xf32, #tpu.memory_space<hbm>>
        %dma_wait3A_402 = tpu.memref_squeeze %dma_wait3A_401 : memref<1x50x64xf32, #tpu.memory_space<hbm>> -> memref<50x64xf32, #tpu.memory_space<hbm>>
        %dma_wait3A_403 = arith.constant 0 : i32
        %dma_wait3A_404 = arith.constant 0 : i32
        %dma_wait3A_405 = tpu.memref_slice %arg4[%add3A_393, %dma_wait3A_403, %dma_wait3A_404] : memref<4096x56x128xf32, #tpu.memory_space<hbm>> -> memref<1x50x64xf32, #tpu.memory_space<hbm>>
        %dma_wait3A_406 = tpu.memref_squeeze %dma_wait3A_405 : memref<1x50x64xf32, #tpu.memory_space<hbm>> -> memref<50x64xf32, #tpu.memory_space<hbm>>
        %dma_wait3A_407 = arith.constant 50 : i32
        %dma_wait3A_408 = arith.constant 0 : i32
        %dma_wait3A_409 = tpu.memref_slice %arg6[%dma_wait3A_394, %dma_wait3A_407, %dma_wait3A_408] : memref<4x100x64xf32, #tpu.memory_space<vmem>> -> memref<1x50x64xf32, #tpu.memory_space<vmem>>
        %dma_wait3A_410 = tpu.memref_squeeze %dma_wait3A_409 : memref<1x50x64xf32, #tpu.memory_space<vmem>> -> memref<50x64xf32, #tpu.memory_space<vmem>>
        tpu.wait_dma2 semaphore(%arg12 : memref<!tpu.dma_semaphore, #tpu.memory_space<semaphore_mem>>) src(%dma_wait3A_410 : memref<50x64xf32, #tpu.memory_space<vmem>>) dst(%dma_wait3A_406 : memref<50x64xf32, #tpu.memory_space<hbm>>)
      } else {
      }
      %add3A_250 = arith.constant 2 : i32
      %add3A_251 = arith.addi %add3A_244, %add3A_250 : i32
      %lt3A_252 = arith.constant 64 : i32
      %lt3A_253 = arith.cmpi slt, %add3A_251, %lt3A_252 : i32
      %convert_element_type3A_254 = arith.extui %lt3A_253 : i1 to i32
      %cond3A_255 = arith.constant 0 : i32
      %cond3A_256 = arith.cmpi ne, %convert_element_type3A_254, %cond3A_255 : i32
      scf.if %cond3A_256 {
        %add3A_371 = arith.constant 2 : i32
        %add3A_372 = arith.addi %add3A_244, %add3A_371 : i32
        %dma_start3A_373 = arith.constant 0 : i32
        %dma_start3A_374 = arith.constant 0 : i32
        %dma_start3A_375 = arith.constant 0 : i32
        %dma_start3A_376 = tpu.memref_slice %arg6[%dma_start3A_373, %dma_start3A_374, %dma_start3A_375] : memref<4x100x64xf32, #tpu.memory_space<vmem>> -> memref<1x100x64xf32, #tpu.memory_space<vmem>>
        %dma_start3A_377 = tpu.memref_squeeze %dma_start3A_376 : memref<1x100x64xf32, #tpu.memory_space<vmem>> -> memref<100x64xf32, #tpu.memory_space<vmem>>
        %dma_start3A_378 = arith.constant 0 : i32
        %dma_start3A_379 = tpu.memref_slice %arg5[%add3A_372, %dma_start3A_378] : memref<64x100xi32, #tpu.memory_space<vmem>> -> memref<1x100xi32, #tpu.memory_space<vmem>>
        %dma_start3A_380 = tpu.memref_squeeze %dma_start3A_379 : memref<1x100xi32, #tpu.memory_space<vmem>> -> memref<100xi32, #tpu.memory_space<vmem>>
        %dma_start3A_381 = arith.constant 0 : i32
        %dma_start3A_382 = arith.constant 0 : i32
        %dma_start3A_383 = tpu.memref_slice %arg3[%dma_start3A_381, %dma_start3A_382] : memref<100000x64xf32, #tpu.memory_space<hbm>> -> memref<100000x64xf32, #tpu.memory_space<hbm>>
        tpu.enqueue_indirect_dma source(%dma_start3A_383 : memref<100000x64xf32, #tpu.memory_space<hbm>>) target(%dma_start3A_377 : memref<100x64xf32, #tpu.memory_space<vmem>>) offsets(%dma_start3A_380 : memref<100xi32, #tpu.memory_space<vmem>>) semaphore(%arg8 : memref<!tpu.dma_semaphore, #tpu.memory_space<semaphore_mem>>)
      } else {
      }
      %dma_wait3A_257 = arith.constant 2 : i32
      %dma_wait3A_258 = arith.constant 0 : i32
      %dma_wait3A_259 = arith.constant 0 : i32
      %dma_wait3A_260 = tpu.memref_slice %arg6[%dma_wait3A_257, %dma_wait3A_258, %dma_wait3A_259] : memref<4x100x64xf32, #tpu.memory_space<vmem>> -> memref<1x100x64xf32, #tpu.memory_space<vmem>>
      %dma_wait3A_261 = tpu.memref_squeeze %dma_wait3A_260 : memref<1x100x64xf32, #tpu.memory_space<vmem>> -> memref<100x64xf32, #tpu.memory_space<vmem>>
      %dma_wait3A_262 = arith.constant 0 : i32
      %dma_wait3A_263 = tpu.memref_slice %arg5[%add3A_244, %dma_wait3A_262] : memref<64x100xi32, #tpu.memory_space<vmem>> -> memref<1x100xi32, #tpu.memory_space<vmem>>
      %dma_wait3A_264 = tpu.memref_squeeze %dma_wait3A_263 : memref<1x100xi32, #tpu.memory_space<vmem>> -> memref<100xi32, #tpu.memory_space<vmem>>
      %dma_wait3A_265 = arith.constant 0 : i32
      %dma_wait3A_266 = arith.constant 0 : i32
      %dma_wait3A_267 = tpu.memref_slice %arg3[%dma_wait3A_265, %dma_wait3A_266] : memref<100000x64xf32, #tpu.memory_space<hbm>> -> memref<100000x64xf32, #tpu.memory_space<hbm>>
      tpu.wait_indirect_dma semaphore(%arg10 : memref<!tpu.dma_semaphore, #tpu.memory_space<semaphore_mem>>) src(%dma_wait3A_267 : memref<100000x64xf32, #tpu.memory_space<hbm>>) dst(%dma_wait3A_261 : memref<100x64xf32, #tpu.memory_space<vmem>>)
      %mul3A_268 = arith.constant 2 : i32
      %mul3A_269 = arith.muli %mul3A_268, %add3A_244 : i32
      %add3A_270 = arith.addi %mul3A_2, %mul3A_269 : i32
      %dma_start3A_271 = arith.constant 2 : i32
      %dma_start3A_272 = arith.constant 0 : i32
      %dma_start3A_273 = arith.constant 0 : i32
      %dma_start3A_274 = tpu.memref_slice %arg6[%dma_start3A_271, %dma_start3A_272, %dma_start3A_273] : memref<4x100x64xf32, #tpu.memory_space<vmem>> -> memref<1x50x64xf32, #tpu.memory_space<vmem>>
      %dma_start3A_275 = tpu.memref_squeeze %dma_start3A_274 : memref<1x50x64xf32, #tpu.memory_space<vmem>> -> memref<50x64xf32, #tpu.memory_space<vmem>>
      %dma_start3A_276 = arith.constant 0 : i32
      %dma_start3A_277 = arith.constant 0 : i32
      %dma_start3A_278 = tpu.memref_slice %arg4[%add3A_270, %dma_start3A_276, %dma_start3A_277] : memref<4096x56x128xf32, #tpu.memory_space<hbm>> -> memref<1x50x64xf32, #tpu.memory_space<hbm>>
      %dma_start3A_279 = tpu.memref_squeeze %dma_start3A_278 : memref<1x50x64xf32, #tpu.memory_space<hbm>> -> memref<50x64xf32, #tpu.memory_space<hbm>>
      %dma_start3A_280 = arith.constant 0 : i32
      %dma_start3A_281 = arith.constant 0 : i32
      %dma_start3A_282 = tpu.memref_slice %arg4[%add3A_270, %dma_start3A_280, %dma_start3A_281] : memref<4096x56x128xf32, #tpu.memory_space<hbm>> -> memref<1x50x64xf32, #tpu.memory_space<hbm>>
      %dma_start3A_283 = tpu.memref_squeeze %dma_start3A_282 : memref<1x50x64xf32, #tpu.memory_space<hbm>> -> memref<50x64xf32, #tpu.memory_space<hbm>>
      %dma_start3A_284 = arith.constant 0 : i32
      %dma_start3A_285 = arith.constant 0 : i32
      %dma_start3A_286 = tpu.memref_slice %arg6[%dma_start3A_271, %dma_start3A_284, %dma_start3A_285] : memref<4x100x64xf32, #tpu.memory_space<vmem>> -> memref<1x50x64xf32, #tpu.memory_space<vmem>>
      %dma_start3A_287 = tpu.memref_squeeze %dma_start3A_286 : memref<1x50x64xf32, #tpu.memory_space<vmem>> -> memref<50x64xf32, #tpu.memory_space<vmem>>
      tpu.enqueue_dma source(%dma_start3A_287 : memref<50x64xf32, #tpu.memory_space<vmem>>) target(%dma_start3A_283 : memref<50x64xf32, #tpu.memory_space<hbm>>) target_semaphore(%arg14 : memref<!tpu.dma_semaphore, #tpu.memory_space<semaphore_mem>>)
      %add3A_288 = arith.constant 1 : i32
      %add3A_289 = arith.addi %add3A_270, %add3A_288 : i32
      %dma_start3A_290 = arith.constant 2 : i32
      %dma_start3A_291 = arith.constant 50 : i32
      %dma_start3A_292 = arith.constant 0 : i32
      %dma_start3A_293 = tpu.memref_slice %arg6[%dma_start3A_290, %dma_start3A_291, %dma_start3A_292] : memref<4x100x64xf32, #tpu.memory_space<vmem>> -> memref<1x50x64xf32, #tpu.memory_space<vmem>>
      %dma_start3A_294 = tpu.memref_squeeze %dma_start3A_293 : memref<1x50x64xf32, #tpu.memory_space<vmem>> -> memref<50x64xf32, #tpu.memory_space<vmem>>
      %dma_start3A_295 = arith.constant 0 : i32
      %dma_start3A_296 = arith.constant 0 : i32
      %dma_start3A_297 = tpu.memref_slice %arg4[%add3A_289, %dma_start3A_295, %dma_start3A_296] : memref<4096x56x128xf32, #tpu.memory_space<hbm>> -> memref<1x50x64xf32, #tpu.memory_space<hbm>>
      %dma_start3A_298 = tpu.memref_squeeze %dma_start3A_297 : memref<1x50x64xf32, #tpu.memory_space<hbm>> -> memref<50x64xf32, #tpu.memory_space<hbm>>
      %dma_start3A_299 = arith.constant 0 : i32
      %dma_start3A_300 = arith.constant 0 : i32
      %dma_start3A_301 = tpu.memref_slice %arg4[%add3A_289, %dma_start3A_299, %dma_start3A_300] : memref<4096x56x128xf32, #tpu.memory_space<hbm>> -> memref<1x50x64xf32, #tpu.memory_space<hbm>>
      %dma_start3A_302 = tpu.memref_squeeze %dma_start3A_301 : memref<1x50x64xf32, #tpu.memory_space<hbm>> -> memref<50x64xf32, #tpu.memory_space<hbm>>
      %dma_start3A_303 = arith.constant 50 : i32
      %dma_start3A_304 = arith.constant 0 : i32
      %dma_start3A_305 = tpu.memref_slice %arg6[%dma_start3A_290, %dma_start3A_303, %dma_start3A_304] : memref<4x100x64xf32, #tpu.memory_space<vmem>> -> memref<1x50x64xf32, #tpu.memory_space<vmem>>
      %dma_start3A_306 = tpu.memref_squeeze %dma_start3A_305 : memref<1x50x64xf32, #tpu.memory_space<vmem>> -> memref<50x64xf32, #tpu.memory_space<vmem>>
      tpu.enqueue_dma source(%dma_start3A_306 : memref<50x64xf32, #tpu.memory_space<vmem>>) target(%dma_start3A_302 : memref<50x64xf32, #tpu.memory_space<hbm>>) target_semaphore(%arg14 : memref<!tpu.dma_semaphore, #tpu.memory_space<semaphore_mem>>)
      %add3A_307 = arith.constant 3 : i32
      %add3A_308 = arith.addi %mul3A_118, %add3A_307 : i32
      %ge3A_309 = arith.constant 2 : i32
      %ge3A_310 = arith.cmpi sge, %add3A_308, %ge3A_309 : i32
      %convert_element_type3A_311 = arith.extui %ge3A_310 : i1 to i32
      %cond3A_312 = arith.constant 0 : i32
      %cond3A_313 = arith.cmpi ne, %convert_element_type3A_311, %cond3A_312 : i32
      scf.if %cond3A_313 {
        %sub3A = arith.constant 2 : i32
        %sub3A_371 = arith.subi %add3A_308, %sub3A : i32
        %mul3A_372 = arith.constant 2 : i32
        %mul3A_373 = arith.muli %mul3A_372, %sub3A_371 : i32
        %add3A_374 = arith.addi %mul3A_2, %mul3A_373 : i32
        %dma_wait3A_375 = arith.constant 1 : i32
        %dma_wait3A_376 = arith.constant 0 : i32
        %dma_wait3A_377 = arith.constant 0 : i32
        %dma_wait3A_378 = tpu.memref_slice %arg6[%dma_wait3A_375, %dma_wait3A_376, %dma_wait3A_377] : memref<4x100x64xf32, #tpu.memory_space<vmem>> -> memref<1x50x64xf32, #tpu.memory_space<vmem>>
        %dma_wait3A_379 = tpu.memref_squeeze %dma_wait3A_378 : memref<1x50x64xf32, #tpu.memory_space<vmem>> -> memref<50x64xf32, #tpu.memory_space<vmem>>
        %dma_wait3A_380 = arith.constant 0 : i32
        %dma_wait3A_381 = arith.constant 0 : i32
        %dma_wait3A_382 = tpu.memref_slice %arg4[%add3A_374, %dma_wait3A_380, %dma_wait3A_381] : memref<4096x56x128xf32, #tpu.memory_space<hbm>> -> memref<1x50x64xf32, #tpu.memory_space<hbm>>
        %dma_wait3A_383 = tpu.memref_squeeze %dma_wait3A_382 : memref<1x50x64xf32, #tpu.memory_space<hbm>> -> memref<50x64xf32, #tpu.memory_space<hbm>>
        %dma_wait3A_384 = arith.constant 0 : i32
        %dma_wait3A_385 = arith.constant 0 : i32
        %dma_wait3A_386 = tpu.memref_slice %arg4[%add3A_374, %dma_wait3A_384, %dma_wait3A_385] : memref<4096x56x128xf32, #tpu.memory_space<hbm>> -> memref<1x50x64xf32, #tpu.memory_space<hbm>>
        %dma_wait3A_387 = tpu.memref_squeeze %dma_wait3A_386 : memref<1x50x64xf32, #tpu.memory_space<hbm>> -> memref<50x64xf32, #tpu.memory_space<hbm>>
        %dma_wait3A_388 = arith.constant 0 : i32
        %dma_wait3A_389 = arith.constant 0 : i32
        %dma_wait3A_390 = tpu.memref_slice %arg6[%dma_wait3A_375, %dma_wait3A_388, %dma_wait3A_389] : memref<4x100x64xf32, #tpu.memory_space<vmem>> -> memref<1x50x64xf32, #tpu.memory_space<vmem>>
        %dma_wait3A_391 = tpu.memref_squeeze %dma_wait3A_390 : memref<1x50x64xf32, #tpu.memory_space<vmem>> -> memref<50x64xf32, #tpu.memory_space<vmem>>
        tpu.wait_dma2 semaphore(%arg13 : memref<!tpu.dma_semaphore, #tpu.memory_space<semaphore_mem>>) src(%dma_wait3A_391 : memref<50x64xf32, #tpu.memory_space<vmem>>) dst(%dma_wait3A_387 : memref<50x64xf32, #tpu.memory_space<hbm>>)
        %add3A_392 = arith.constant 1 : i32
        %add3A_393 = arith.addi %add3A_374, %add3A_392 : i32
        %dma_wait3A_394 = arith.constant 1 : i32
        %dma_wait3A_395 = arith.constant 50 : i32
        %dma_wait3A_396 = arith.constant 0 : i32
        %dma_wait3A_397 = tpu.memref_slice %arg6[%dma_wait3A_394, %dma_wait3A_395, %dma_wait3A_396] : memref<4x100x64xf32, #tpu.memory_space<vmem>> -> memref<1x50x64xf32, #tpu.memory_space<vmem>>
        %dma_wait3A_398 = tpu.memref_squeeze %dma_wait3A_397 : memref<1x50x64xf32, #tpu.memory_space<vmem>> -> memref<50x64xf32, #tpu.memory_space<vmem>>
        %dma_wait3A_399 = arith.constant 0 : i32
        %dma_wait3A_400 = arith.constant 0 : i32
        %dma_wait3A_401 = tpu.memref_slice %arg4[%add3A_393, %dma_wait3A_399, %dma_wait3A_400] : memref<4096x56x128xf32, #tpu.memory_space<hbm>> -> memref<1x50x64xf32, #tpu.memory_space<hbm>>
        %dma_wait3A_402 = tpu.memref_squeeze %dma_wait3A_401 : memref<1x50x64xf32, #tpu.memory_space<hbm>> -> memref<50x64xf32, #tpu.memory_space<hbm>>
        %dma_wait3A_403 = arith.constant 0 : i32
        %dma_wait3A_404 = arith.constant 0 : i32
        %dma_wait3A_405 = tpu.memref_slice %arg4[%add3A_393, %dma_wait3A_403, %dma_wait3A_404] : memref<4096x56x128xf32, #tpu.memory_space<hbm>> -> memref<1x50x64xf32, #tpu.memory_space<hbm>>
        %dma_wait3A_406 = tpu.memref_squeeze %dma_wait3A_405 : memref<1x50x64xf32, #tpu.memory_space<hbm>> -> memref<50x64xf32, #tpu.memory_space<hbm>>
        %dma_wait3A_407 = arith.constant 50 : i32
        %dma_wait3A_408 = arith.constant 0 : i32
        %dma_wait3A_409 = tpu.memref_slice %arg6[%dma_wait3A_394, %dma_wait3A_407, %dma_wait3A_408] : memref<4x100x64xf32, #tpu.memory_space<vmem>> -> memref<1x50x64xf32, #tpu.memory_space<vmem>>
        %dma_wait3A_410 = tpu.memref_squeeze %dma_wait3A_409 : memref<1x50x64xf32, #tpu.memory_space<vmem>> -> memref<50x64xf32, #tpu.memory_space<vmem>>
        tpu.wait_dma2 semaphore(%arg13 : memref<!tpu.dma_semaphore, #tpu.memory_space<semaphore_mem>>) src(%dma_wait3A_410 : memref<50x64xf32, #tpu.memory_space<vmem>>) dst(%dma_wait3A_406 : memref<50x64xf32, #tpu.memory_space<hbm>>)
      } else {
      }
      %add3A_314 = arith.constant 2 : i32
      %add3A_315 = arith.addi %add3A_308, %add3A_314 : i32
      %lt3A_316 = arith.constant 64 : i32
      %lt3A_317 = arith.cmpi slt, %add3A_315, %lt3A_316 : i32
      %convert_element_type3A_318 = arith.extui %lt3A_317 : i1 to i32
      %cond3A_319 = arith.constant 0 : i32
      %cond3A_320 = arith.cmpi ne, %convert_element_type3A_318, %cond3A_319 : i32
      scf.if %cond3A_320 {
        %add3A_371 = arith.constant 2 : i32
        %add3A_372 = arith.addi %add3A_308, %add3A_371 : i32
        %dma_start3A_373 = arith.constant 1 : i32
        %dma_start3A_374 = arith.constant 0 : i32
        %dma_start3A_375 = arith.constant 0 : i32
        %dma_start3A_376 = tpu.memref_slice %arg6[%dma_start3A_373, %dma_start3A_374, %dma_start3A_375] : memref<4x100x64xf32, #tpu.memory_space<vmem>> -> memref<1x100x64xf32, #tpu.memory_space<vmem>>
        %dma_start3A_377 = tpu.memref_squeeze %dma_start3A_376 : memref<1x100x64xf32, #tpu.memory_space<vmem>> -> memref<100x64xf32, #tpu.memory_space<vmem>>
        %dma_start3A_378 = arith.constant 0 : i32
        %dma_start3A_379 = tpu.memref_slice %arg5[%add3A_372, %dma_start3A_378] : memref<64x100xi32, #tpu.memory_space<vmem>> -> memref<1x100xi32, #tpu.memory_space<vmem>>
        %dma_start3A_380 = tpu.memref_squeeze %dma_start3A_379 : memref<1x100xi32, #tpu.memory_space<vmem>> -> memref<100xi32, #tpu.memory_space<vmem>>
        %dma_start3A_381 = arith.constant 0 : i32
        %dma_start3A_382 = arith.constant 0 : i32
        %dma_start3A_383 = tpu.memref_slice %arg3[%dma_start3A_381, %dma_start3A_382] : memref<100000x64xf32, #tpu.memory_space<hbm>> -> memref<100000x64xf32, #tpu.memory_space<hbm>>
        tpu.enqueue_indirect_dma source(%dma_start3A_383 : memref<100000x64xf32, #tpu.memory_space<hbm>>) target(%dma_start3A_377 : memref<100x64xf32, #tpu.memory_space<vmem>>) offsets(%dma_start3A_380 : memref<100xi32, #tpu.memory_space<vmem>>) semaphore(%arg9 : memref<!tpu.dma_semaphore, #tpu.memory_space<semaphore_mem>>)
      } else {
      }
      %dma_wait3A_321 = arith.constant 3 : i32
      %dma_wait3A_322 = arith.constant 0 : i32
      %dma_wait3A_323 = arith.constant 0 : i32
      %dma_wait3A_324 = tpu.memref_slice %arg6[%dma_wait3A_321, %dma_wait3A_322, %dma_wait3A_323] : memref<4x100x64xf32, #tpu.memory_space<vmem>> -> memref<1x100x64xf32, #tpu.memory_space<vmem>>
      %dma_wait3A_325 = tpu.memref_squeeze %dma_wait3A_324 : memref<1x100x64xf32, #tpu.memory_space<vmem>> -> memref<100x64xf32, #tpu.memory_space<vmem>>
      %dma_wait3A_326 = arith.constant 0 : i32
      %dma_wait3A_327 = tpu.memref_slice %arg5[%add3A_308, %dma_wait3A_326] : memref<64x100xi32, #tpu.memory_space<vmem>> -> memref<1x100xi32, #tpu.memory_space<vmem>>
      %dma_wait3A_328 = tpu.memref_squeeze %dma_wait3A_327 : memref<1x100xi32, #tpu.memory_space<vmem>> -> memref<100xi32, #tpu.memory_space<vmem>>
      %dma_wait3A_329 = arith.constant 0 : i32
      %dma_wait3A_330 = arith.constant 0 : i32
      %dma_wait3A_331 = tpu.memref_slice %arg3[%dma_wait3A_329, %dma_wait3A_330] : memref<100000x64xf32, #tpu.memory_space<hbm>> -> memref<100000x64xf32, #tpu.memory_space<hbm>>
      tpu.wait_indirect_dma semaphore(%arg11 : memref<!tpu.dma_semaphore, #tpu.memory_space<semaphore_mem>>) src(%dma_wait3A_331 : memref<100000x64xf32, #tpu.memory_space<hbm>>) dst(%dma_wait3A_325 : memref<100x64xf32, #tpu.memory_space<vmem>>)
      %mul3A_332 = arith.constant 2 : i32
      %mul3A_333 = arith.muli %mul3A_332, %add3A_308 : i32
      %add3A_334 = arith.addi %mul3A_2, %mul3A_333 : i32
      %dma_start3A_335 = arith.constant 3 : i32
      %dma_start3A_336 = arith.constant 0 : i32
      %dma_start3A_337 = arith.constant 0 : i32
      %dma_start3A_338 = tpu.memref_slice %arg6[%dma_start3A_335, %dma_start3A_336, %dma_start3A_337] : memref<4x100x64xf32, #tpu.memory_space<vmem>> -> memref<1x50x64xf32, #tpu.memory_space<vmem>>
      %dma_start3A_339 = tpu.memref_squeeze %dma_start3A_338 : memref<1x50x64xf32, #tpu.memory_space<vmem>> -> memref<50x64xf32, #tpu.memory_space<vmem>>
      %dma_start3A_340 = arith.constant 0 : i32
      %dma_start3A_341 = arith.constant 0 : i32
      %dma_start3A_342 = tpu.memref_slice %arg4[%add3A_334, %dma_start3A_340, %dma_start3A_341] : memref<4096x56x128xf32, #tpu.memory_space<hbm>> -> memref<1x50x64xf32, #tpu.memory_space<hbm>>
      %dma_start3A_343 = tpu.memref_squeeze %dma_start3A_342 : memref<1x50x64xf32, #tpu.memory_space<hbm>> -> memref<50x64xf32, #tpu.memory_space<hbm>>
      %dma_start3A_344 = arith.constant 0 : i32
      %dma_start3A_345 = arith.constant 0 : i32
      %dma_start3A_346 = tpu.memref_slice %arg4[%add3A_334, %dma_start3A_344, %dma_start3A_345] : memref<4096x56x128xf32, #tpu.memory_space<hbm>> -> memref<1x50x64xf32, #tpu.memory_space<hbm>>
      %dma_start3A_347 = tpu.memref_squeeze %dma_start3A_346 : memref<1x50x64xf32, #tpu.memory_space<hbm>> -> memref<50x64xf32, #tpu.memory_space<hbm>>
      %dma_start3A_348 = arith.constant 0 : i32
      %dma_start3A_349 = arith.constant 0 : i32
      %dma_start3A_350 = tpu.memref_slice %arg6[%dma_start3A_335, %dma_start3A_348, %dma_start3A_349] : memref<4x100x64xf32, #tpu.memory_space<vmem>> -> memref<1x50x64xf32, #tpu.memory_space<vmem>>
      %dma_start3A_351 = tpu.memref_squeeze %dma_start3A_350 : memref<1x50x64xf32, #tpu.memory_space<vmem>> -> memref<50x64xf32, #tpu.memory_space<vmem>>
      tpu.enqueue_dma source(%dma_start3A_351 : memref<50x64xf32, #tpu.memory_space<vmem>>) target(%dma_start3A_347 : memref<50x64xf32, #tpu.memory_space<hbm>>) target_semaphore(%arg15 : memref<!tpu.dma_semaphore, #tpu.memory_space<semaphore_mem>>)
      %add3A_352 = arith.constant 1 : i32
      %add3A_353 = arith.addi %add3A_334, %add3A_352 : i32
      %dma_start3A_354 = arith.constant 3 : i32
      %dma_start3A_355 = arith.constant 50 : i32
      %dma_start3A_356 = arith.constant 0 : i32
      %dma_start3A_357 = tpu.memref_slice %arg6[%dma_start3A_354, %dma_start3A_355, %dma_start3A_356] : memref<4x100x64xf32, #tpu.memory_space<vmem>> -> memref<1x50x64xf32, #tpu.memory_space<vmem>>
      %dma_start3A_358 = tpu.memref_squeeze %dma_start3A_357 : memref<1x50x64xf32, #tpu.memory_space<vmem>> -> memref<50x64xf32, #tpu.memory_space<vmem>>
      %dma_start3A_359 = arith.constant 0 : i32
      %dma_start3A_360 = arith.constant 0 : i32
      %dma_start3A_361 = tpu.memref_slice %arg4[%add3A_353, %dma_start3A_359, %dma_start3A_360] : memref<4096x56x128xf32, #tpu.memory_space<hbm>> -> memref<1x50x64xf32, #tpu.memory_space<hbm>>
      %dma_start3A_362 = tpu.memref_squeeze %dma_start3A_361 : memref<1x50x64xf32, #tpu.memory_space<hbm>> -> memref<50x64xf32, #tpu.memory_space<hbm>>
      %dma_start3A_363 = arith.constant 0 : i32
      %dma_start3A_364 = arith.constant 0 : i32
      %dma_start3A_365 = tpu.memref_slice %arg4[%add3A_353, %dma_start3A_363, %dma_start3A_364] : memref<4096x56x128xf32, #tpu.memory_space<hbm>> -> memref<1x50x64xf32, #tpu.memory_space<hbm>>
      %dma_start3A_366 = tpu.memref_squeeze %dma_start3A_365 : memref<1x50x64xf32, #tpu.memory_space<hbm>> -> memref<50x64xf32, #tpu.memory_space<hbm>>
      %dma_start3A_367 = arith.constant 50 : i32
      %dma_start3A_368 = arith.constant 0 : i32
      %dma_start3A_369 = tpu.memref_slice %arg6[%dma_start3A_354, %dma_start3A_367, %dma_start3A_368] : memref<4x100x64xf32, #tpu.memory_space<vmem>> -> memref<1x50x64xf32, #tpu.memory_space<vmem>>
      %dma_start3A_370 = tpu.memref_squeeze %dma_start3A_369 : memref<1x50x64xf32, #tpu.memory_space<vmem>> -> memref<50x64xf32, #tpu.memory_space<vmem>>
      tpu.enqueue_dma source(%dma_start3A_370 : memref<50x64xf32, #tpu.memory_space<vmem>>) target(%dma_start3A_366 : memref<50x64xf32, #tpu.memory_space<hbm>>) target_semaphore(%arg15 : memref<!tpu.dma_semaphore, #tpu.memory_space<semaphore_mem>>)
    }
    %scan3A_39 = arith.constant 16 : i32
    %add3A_40 = arith.constant 124 : i32
    %add3A_41 = arith.addi %mul3A_2, %add3A_40 : i32
    %dma_wait3A_42 = arith.constant 2 : i32
    %dma_wait3A_43 = arith.constant 0 : i32
    %dma_wait3A_44 = arith.constant 0 : i32
    %dma_wait3A_45 = tpu.memref_slice %arg6[%dma_wait3A_42, %dma_wait3A_43, %dma_wait3A_44] : memref<4x100x64xf32, #tpu.memory_space<vmem>> -> memref<1x50x64xf32, #tpu.memory_space<vmem>>
    %dma_wait3A_46 = tpu.memref_squeeze %dma_wait3A_45 : memref<1x50x64xf32, #tpu.memory_space<vmem>> -> memref<50x64xf32, #tpu.memory_space<vmem>>
    %dma_wait3A_47 = arith.constant 0 : i32
    %dma_wait3A_48 = arith.constant 0 : i32
    %dma_wait3A_49 = tpu.memref_slice %arg4[%add3A_41, %dma_wait3A_47, %dma_wait3A_48] : memref<4096x56x128xf32, #tpu.memory_space<hbm>> -> memref<1x50x64xf32, #tpu.memory_space<hbm>>
    %dma_wait3A_50 = tpu.memref_squeeze %dma_wait3A_49 : memref<1x50x64xf32, #tpu.memory_space<hbm>> -> memref<50x64xf32, #tpu.memory_space<hbm>>
    %dma_wait3A_51 = arith.constant 0 : i32
    %dma_wait3A_52 = arith.constant 0 : i32
    %dma_wait3A_53 = tpu.memref_slice %arg4[%add3A_41, %dma_wait3A_51, %dma_wait3A_52] : memref<4096x56x128xf32, #tpu.memory_space<hbm>> -> memref<1x50x64xf32, #tpu.memory_space<hbm>>
    %dma_wait3A_54 = tpu.memref_squeeze %dma_wait3A_53 : memref<1x50x64xf32, #tpu.memory_space<hbm>> -> memref<50x64xf32, #tpu.memory_space<hbm>>
    %dma_wait3A_55 = arith.constant 0 : i32
    %dma_wait3A_56 = arith.constant 0 : i32
    %dma_wait3A_57 = tpu.memref_slice %arg6[%dma_wait3A_42, %dma_wait3A_55, %dma_wait3A_56] : memref<4x100x64xf32, #tpu.memory_space<vmem>> -> memref<1x50x64xf32, #tpu.memory_space<vmem>>
    %dma_wait3A_58 = tpu.memref_squeeze %dma_wait3A_57 : memref<1x50x64xf32, #tpu.memory_space<vmem>> -> memref<50x64xf32, #tpu.memory_space<vmem>>
    tpu.wait_dma2 semaphore(%arg14 : memref<!tpu.dma_semaphore, #tpu.memory_space<semaphore_mem>>) src(%dma_wait3A_58 : memref<50x64xf32, #tpu.memory_space<vmem>>) dst(%dma_wait3A_54 : memref<50x64xf32, #tpu.memory_space<hbm>>)
    %add3A_59 = arith.constant 1 : i32
    %add3A_60 = arith.addi %add3A_41, %add3A_59 : i32
    %dma_wait3A_61 = arith.constant 2 : i32
    %dma_wait3A_62 = arith.constant 50 : i32
    %dma_wait3A_63 = arith.constant 0 : i32
    %dma_wait3A_64 = tpu.memref_slice %arg6[%dma_wait3A_61, %dma_wait3A_62, %dma_wait3A_63] : memref<4x100x64xf32, #tpu.memory_space<vmem>> -> memref<1x50x64xf32, #tpu.memory_space<vmem>>
    %dma_wait3A_65 = tpu.memref_squeeze %dma_wait3A_64 : memref<1x50x64xf32, #tpu.memory_space<vmem>> -> memref<50x64xf32, #tpu.memory_space<vmem>>
    %dma_wait3A_66 = arith.constant 0 : i32
    %dma_wait3A_67 = arith.constant 0 : i32
    %dma_wait3A_68 = tpu.memref_slice %arg4[%add3A_60, %dma_wait3A_66, %dma_wait3A_67] : memref<4096x56x128xf32, #tpu.memory_space<hbm>> -> memref<1x50x64xf32, #tpu.memory_space<hbm>>
    %dma_wait3A_69 = tpu.memref_squeeze %dma_wait3A_68 : memref<1x50x64xf32, #tpu.memory_space<hbm>> -> memref<50x64xf32, #tpu.memory_space<hbm>>
    %dma_wait3A_70 = arith.constant 0 : i32
    %dma_wait3A_71 = arith.constant 0 : i32
    %dma_wait3A_72 = tpu.memref_slice %arg4[%add3A_60, %dma_wait3A_70, %dma_wait3A_71] : memref<4096x56x128xf32, #tpu.memory_space<hbm>> -> memref<1x50x64xf32, #tpu.memory_space<hbm>>
    %dma_wait3A_73 = tpu.memref_squeeze %dma_wait3A_72 : memref<1x50x64xf32, #tpu.memory_space<hbm>> -> memref<50x64xf32, #tpu.memory_space<hbm>>
    %dma_wait3A_74 = arith.constant 50 : i32
    %dma_wait3A_75 = arith.constant 0 : i32
    %dma_wait3A_76 = tpu.memref_slice %arg6[%dma_wait3A_61, %dma_wait3A_74, %dma_wait3A_75] : memref<4x100x64xf32, #tpu.memory_space<vmem>> -> memref<1x50x64xf32, #tpu.memory_space<vmem>>
    %dma_wait3A_77 = tpu.memref_squeeze %dma_wait3A_76 : memref<1x50x64xf32, #tpu.memory_space<vmem>> -> memref<50x64xf32, #tpu.memory_space<vmem>>
    tpu.wait_dma2 semaphore(%arg14 : memref<!tpu.dma_semaphore, #tpu.memory_space<semaphore_mem>>) src(%dma_wait3A_77 : memref<50x64xf32, #tpu.memory_space<vmem>>) dst(%dma_wait3A_73 : memref<50x64xf32, #tpu.memory_space<hbm>>)
    %add3A_78 = arith.constant 126 : i32
    %add3A_79 = arith.addi %mul3A_2, %add3A_78 : i32
    %dma_wait3A_80 = arith.constant 3 : i32
    %dma_wait3A_81 = arith.constant 0 : i32
    %dma_wait3A_82 = arith.constant 0 : i32
    %dma_wait3A_83 = tpu.memref_slice %arg6[%dma_wait3A_80, %dma_wait3A_81, %dma_wait3A_82] : memref<4x100x64xf32, #tpu.memory_space<vmem>> -> memref<1x50x64xf32, #tpu.memory_space<vmem>>
    %dma_wait3A_84 = tpu.memref_squeeze %dma_wait3A_83 : memref<1x50x64xf32, #tpu.memory_space<vmem>> -> memref<50x64xf32, #tpu.memory_space<vmem>>
    %dma_wait3A_85 = arith.constant 0 : i32
    %dma_wait3A_86 = arith.constant 0 : i32
    %dma_wait3A_87 = tpu.memref_slice %arg4[%add3A_79, %dma_wait3A_85, %dma_wait3A_86] : memref<4096x56x128xf32, #tpu.memory_space<hbm>> -> memref<1x50x64xf32, #tpu.memory_space<hbm>>
    %dma_wait3A_88 = tpu.memref_squeeze %dma_wait3A_87 : memref<1x50x64xf32, #tpu.memory_space<hbm>> -> memref<50x64xf32, #tpu.memory_space<hbm>>
    %dma_wait3A_89 = arith.constant 0 : i32
    %dma_wait3A_90 = arith.constant 0 : i32
    %dma_wait3A_91 = tpu.memref_slice %arg4[%add3A_79, %dma_wait3A_89, %dma_wait3A_90] : memref<4096x56x128xf32, #tpu.memory_space<hbm>> -> memref<1x50x64xf32, #tpu.memory_space<hbm>>
    %dma_wait3A_92 = tpu.memref_squeeze %dma_wait3A_91 : memref<1x50x64xf32, #tpu.memory_space<hbm>> -> memref<50x64xf32, #tpu.memory_space<hbm>>
    %dma_wait3A_93 = arith.constant 0 : i32
    %dma_wait3A_94 = arith.constant 0 : i32
    %dma_wait3A_95 = tpu.memref_slice %arg6[%dma_wait3A_80, %dma_wait3A_93, %dma_wait3A_94] : memref<4x100x64xf32, #tpu.memory_space<vmem>> -> memref<1x50x64xf32, #tpu.memory_space<vmem>>
    %dma_wait3A_96 = tpu.memref_squeeze %dma_wait3A_95 : memref<1x50x64xf32, #tpu.memory_space<vmem>> -> memref<50x64xf32, #tpu.memory_space<vmem>>
    tpu.wait_dma2 semaphore(%arg15 : memref<!tpu.dma_semaphore, #tpu.memory_space<semaphore_mem>>) src(%dma_wait3A_96 : memref<50x64xf32, #tpu.memory_space<vmem>>) dst(%dma_wait3A_92 : memref<50x64xf32, #tpu.memory_space<hbm>>)
    %add3A_97 = arith.constant 1 : i32
    %add3A_98 = arith.addi %add3A_79, %add3A_97 : i32
    %dma_wait3A_99 = arith.constant 3 : i32
    %dma_wait3A_100 = arith.constant 50 : i32
    %dma_wait3A_101 = arith.constant 0 : i32
    %dma_wait3A_102 = tpu.memref_slice %arg6[%dma_wait3A_99, %dma_wait3A_100, %dma_wait3A_101] : memref<4x100x64xf32, #tpu.memory_space<vmem>> -> memref<1x50x64xf32, #tpu.memory_space<vmem>>
    %dma_wait3A_103 = tpu.memref_squeeze %dma_wait3A_102 : memref<1x50x64xf32, #tpu.memory_space<vmem>> -> memref<50x64xf32, #tpu.memory_space<vmem>>
    %dma_wait3A_104 = arith.constant 0 : i32
    %dma_wait3A_105 = arith.constant 0 : i32
    %dma_wait3A_106 = tpu.memref_slice %arg4[%add3A_98, %dma_wait3A_104, %dma_wait3A_105] : memref<4096x56x128xf32, #tpu.memory_space<hbm>> -> memref<1x50x64xf32, #tpu.memory_space<hbm>>
    %dma_wait3A_107 = tpu.memref_squeeze %dma_wait3A_106 : memref<1x50x64xf32, #tpu.memory_space<hbm>> -> memref<50x64xf32, #tpu.memory_space<hbm>>
    %dma_wait3A_108 = arith.constant 0 : i32
    %dma_wait3A_109 = arith.constant 0 : i32
    %dma_wait3A_110 = tpu.memref_slice %arg4[%add3A_98, %dma_wait3A_108, %dma_wait3A_109] : memref<4096x56x128xf32, #tpu.memory_space<hbm>> -> memref<1x50x64xf32, #tpu.memory_space<hbm>>
    %dma_wait3A_111 = tpu.memref_squeeze %dma_wait3A_110 : memref<1x50x64xf32, #tpu.memory_space<hbm>> -> memref<50x64xf32, #tpu.memory_space<hbm>>
    %dma_wait3A_112 = arith.constant 50 : i32
    %dma_wait3A_113 = arith.constant 0 : i32
    %dma_wait3A_114 = tpu.memref_slice %arg6[%dma_wait3A_99, %dma_wait3A_112, %dma_wait3A_113] : memref<4x100x64xf32, #tpu.memory_space<vmem>> -> memref<1x50x64xf32, #tpu.memory_space<vmem>>
    %dma_wait3A_115 = tpu.memref_squeeze %dma_wait3A_114 : memref<1x50x64xf32, #tpu.memory_space<vmem>> -> memref<50x64xf32, #tpu.memory_space<vmem>>
    tpu.wait_dma2 semaphore(%arg15 : memref<!tpu.dma_semaphore, #tpu.memory_space<semaphore_mem>>) src(%dma_wait3A_115 : memref<50x64xf32, #tpu.memory_space<vmem>>) dst(%dma_wait3A_111 : memref<50x64xf32, #tpu.memory_space<hbm>>)
    return
  }
}

</mosaic_0001>

<sc_bundles>
// kernel: kernel.3.cloned.1.call-start
scs
__scs_entry_jumppad:
0x0: {  	(pc) =	sbr.rel $0x88, $3  }
0x1: {  	(tag) =	ssettag $0x0;
	lr =	simm.s32 $0x1  }
0x2: {  	[smem:$0x3F9F] =	sst lr;
	_ =	strace $0xD0000000  }
0x3: {  	_ = 	snop  }
0x4: {  	_ = 	snop  }
0x5: {  	_ = 	snop  }
0x6: {  	_ = 	snop  }
0x7: {  	_ = 	snop  }
__scs_overlays_trampoline_lowered:
0x8: {  	[smem:$0x3FAE] =	sst s0  }
0x9: {  	[smem:$0x3FAF] =	sst s1  }
0xa: {  	[smem:$0x3FB0] =	sst s2  }
0xb: {  	[smem:$0x3FB1] =	sst s3  }
0xc: {  	[smem:$0x3FB2] =	sst s4  }
0xd: {  	[smem:$0x3FB3] =	sst s5  }
0xe: {  	[smem:$0x3FB4] =	sst s6  }
0xf: {  	[smem:$0x3FB5] =	sst s7  }
0x10: {  	[smem:$0x3FB6] =	sst s8  }
0x11: {  	[smem:$0x3FB7] =	sst s9;
	s0 =	simm.s32 @!p0 $0x0  }
0x12: {  	s1 =	sld [smem:$0x3F9D];
	s0 =	simm.s32 @p0 $0x1  }
0x13: {  	[smem:$0x3FB8] =	sst s0;
	s0 =	simm.s32 @!p1 $0x0  }
0x14: {  	s2 =	sld [smem:$0x3F9C];
	s0 =	simm.s32 @p1 $0x1  }
0x15: {  	[smem:$0x3FB9] =	sst s0;
	s0 =	simm.s32 @!p2 $0x0  }
0x16: {  	s3 =	sld [smem:$0x3FDB];
	s0 =	simm.s32 @p2 $0x1  }
0x17: {  	s4 =	simm.s32 $0x1BF5;
	[smem:$0x3FBB] =	sst s0  }
0x18: {  	s0 =	sld [smem:$0x3F9E];
	_ =	swait.ge [sflag:s4], $0x0  }
0x19: {  	s7 =	sld [smem:$0x3F9F]  }
0x1a: {  	s8 =	sadd.s32 $0xFFFFE003, lr  }
0x1b: {  	s9 =	sadd.s32 $0xFFFFFEF7, lr;
	s5 =	simm.s32 $0xFFFFFFFF;
	p2 =	slt.u32 s8, $0xFFFFF086  }
0x1c: {  	p1 =	slt.u32 s9, $0xF7A;
	s5 =	simm.s32 @!p2 $0x0  }
0x1d: {  	s5 =	simm.s32 @p1 $0x1;
	p0 =	seq.s32 s7, s2  }
0x1e: {  	s7 =	smul.u32 @!p0 $0xF7A, s2;
	p2 =	seq.s32 @!p0 s5, $0x0  }
0x1f: {  	s9 =	smul.u32 $0xF7A, s1;
	s8 =	simm.s32 @!p0 $0x1BF5;
	p2 =	por !p2, p0  }
0x20: {  	[sflag:s8] =	ssyncset.s32 @!p0 $0xFFFFF086;
	s6 =	sadd.s32 @!p0 s3, s7;
	s7 =	simm.s32 @!p0 $0x108  }
0x21: {  	s3 =	sadd.s32 s3, s9;
	s6 =	sadd.s32 @!p0 $0x88, s6;
	s7 =	simm.s32 @p2 $0x1082  }
0x22: {  	[simem:s7], [sflag:s8] =	dma.local @!p0 [hbm:s6], $0xF7A  }
0x23: {  	s9 =	sor.u32 $0xD0000000, s2;
	s6 =	simm.s32 $0x108;
	_ =	swait.ge @!p0 [sflag:s8], $0x0  }
0x24: {  	s3 =	sadd.s32 $0x88, s3;
	s6 =	simm.s32 @!p1 $0x1082;
	[sflag:s4] =	ssyncset.s32 $0xFFFFF086  }
0x25: {  	[simem:s6], [sflag:s4] =	dma.local [hbm:s3], $0xF7A  }
0x26: {  	[smem:$0x3F9F] =	sst s1;
	(tag) =	ssettag s2;
	_ =	strace s9  }
0x27: {  	s1 =	sld [smem:$0x3FAF]  }
0x28: {  	s2 =	sld [smem:$0x3FB0]  }
0x29: {  	s4 =	sld [smem:$0x3FB2]  }
0x2a: {  	p0 =	seq.s32 s5, $0x0;
	s5 =	sld [smem:$0x3FB3]  }
0x2b: {  	s6 =	sld [smem:$0x3FB4]  }
0x2c: {  	s7 =	sld [smem:$0x3FB5]  }
0x2d: {  	s3 =	simm.s32 $0x108;
	s8 =	sld [smem:$0x3FB6]  }
0x2e: {  	s3 =	simm.s32 @!p0 $0x1082;
	s9 =	sld [smem:$0x3FB7]  }
0x2f: {  	lr =	sadd.s32 s0, s3;
	s0 =	sld [smem:$0x3FAE]  }
0x30: {  	s3 =	sld [smem:$0x3FB1]  }
0x31: {  	[smem:$0x3FBA] =	sst s10  }
0x32: {  	s10 =	sld [smem:$0x3FB8];
	_ =	sdelay $0x3  }
0x33: {  	p0 =	seq.s32 s10, $0x1;
	s10 =	sld [smem:$0x3FBA];
	_ =	sdelay $0x3  }
0x34: {  	[smem:$0x3FBA] =	sst s10  }
0x35: {  	s10 =	sld [smem:$0x3FB9];
	_ =	sdelay $0x3  }
0x36: {  	p1 =	seq.s32 s10, $0x1;
	s10 =	sld [smem:$0x3FBA];
	_ =	sdelay $0x3  }
0x37: {  	[smem:$0x3FBA] =	sst s10  }
0x38: {  	s10 =	sld [smem:$0x3FBB]  }
0x39: {  	_ = 	snop;
	(pc) =	sbr.ind lr, $3  }
0x3a: {  	_ = 	snop  }
0x3b: {  	_ = 	snop  }
0x3c: {  	p2 =	seq.s32 s10, $0x1;
	s10 =	sld [smem:$0x3FBA]  }
0x3d: {  	_ =	shalt  }
0x3e: {  	_ =	shalt  }
0x3f: {  	_ =	shalt  }
0x40: {  	_ =	shalt  }
0x41: {  	_ =	shalt  }
0x42: {  	_ =	shalt  }
0x43: {  	_ =	shalt  }
0x44: {  	_ =	shalt  }
0x45: {  	_ =	shalt  }
0x46: {  	_ =	shalt  }
0x47: {  	_ =	shalt  }
0x48: {  	_ =	shalt  }
0x49: {  	_ =	shalt  }
0x4a: {  	_ =	shalt  }
0x4b: {  	_ =	shalt  }
0x4c: {  	_ =	shalt  }
0x4d: {  	_ =	shalt  }
0x4e: {  	_ =	shalt  }
0x4f: {  	_ =	shalt  }
0x50: {  	_ =	shalt  }
0x51: {  	_ =	shalt  }
0x52: {  	_ =	shalt  }
0x53: {  	_ =	shalt  }
0x54: {  	_ =	shalt  }
0x55: {  	_ =	shalt  }
0x56: {  	_ =	shalt  }
0x57: {  	_ =	shalt  }
0x58: {  	_ =	shalt  }
0x59: {  	_ =	shalt  }
0x5a: {  	_ =	shalt  }
0x5b: {  	_ =	shalt  }
0x5c: {  	_ =	shalt  }
0x5d: {  	_ =	shalt  }
0x5e: {  	_ =	shalt  }
0x5f: {  	_ =	shalt  }
0x60: {  	_ =	shalt  }
0x61: {  	_ =	shalt  }
0x62: {  	_ =	shalt  }
0x63: {  	_ =	shalt  }
0x64: {  	_ =	shalt  }
0x65: {  	_ =	shalt  }
0x66: {  	_ =	shalt  }
0x67: {  	_ =	shalt  }
0x68: {  	_ =	shalt  }
0x69: {  	_ =	shalt  }
0x6a: {  	_ =	shalt  }
0x6b: {  	_ =	shalt  }
0x6c: {  	_ =	shalt  }
0x6d: {  	_ =	shalt  }
0x6e: {  	_ =	shalt  }
0x6f: {  	_ =	shalt  }
0x70: {  	_ =	shalt  }
0x71: {  	_ =	shalt  }
0x72: {  	_ =	shalt  }
0x73: {  	_ =	shalt  }
0x74: {  	_ =	shalt  }
0x75: {  	_ =	shalt  }
0x76: {  	_ =	shalt  }
0x77: {  	_ =	shalt  }
0x78: {  	_ =	shalt  }
0x79: {  	_ =	shalt  }
0x7a: {  	_ =	shalt  }
0x7b: {  	_ =	shalt  }
0x7c: {  	_ =	shalt  }
0x7d: {  	_ =	shalt  }
0x7e: {  	_ =	shalt  }
0x7f: {  	_ =	shalt  }
0x80: {  	_ =	shalt  }
0x81: {  	_ =	shalt  }
0x82: {  	_ =	shalt  }
0x83: {  	_ =	shalt  }
0x84: {  	_ =	shalt  }
0x85: {  	_ =	shalt  }
0x86: {  	_ =	shalt  }
0x87: {  	_ =	shalt  }
.Lfunc_end0:
.L_simem_size_0:
called_computation.1_lowered:
.L_overlay_start_0:
0x88: {  	s2 =	sld [smem:$0x3FD9]  }
0x89: {  	s3 =	sld [smem:$0x3FFE];
	_ =	sdelay $0x1  }
0x8a: {  	s1 =	srdreg.scid  }
0x8b: {  	s0 =	sand.u32 $0x1, s1  }
0x8c: {  	s16 =	sshll.u32 s0, $0xA;
	s2 =	sadd.s32 s3, s2  }
0x8d: {  	s2 =	sadd.s32 s2, s16  }
0x8e: {  	[smem:$0x3FC6] =	sst s2  }
0x8f: {  	_ = 	snop  }
0x90: {  	(tm) =	ssettm $0x1  }
0x91: {  	s17 =	sld [smem:$0x3FFB];
	_ =	sdelay $0x3  }
0x92: {  	_ =	strace s17  }
0x93: {  	s2 =	sld [smem:$0x3FFC];
	_ =	sdelay $0x3  }
0x94: {  	_ =	strace s2  }
0x95: {  	s2 =	sld [smem:$0x3FFD];
	_ =	sdelay $0x3  }
0x96: {  	_ =	strace s2  }
0x97: {  	_ =	strace $0x8FFFFFFF  }
0x98: {  	s18 =	sld [smem:$0x3FDB];
	_ =	sdelay $0x1  }
0x99: {  	s19 =	simm.s32 $_scs_section_size  }
0x9a: {  	s4 =	simm.s32 $_size__tile_overlayer_lowered;
	s5 =	simm.s32 $_tile_overlayer_lowered  }
0x9b: {  	s22 =	simm.s32 $0x1BFF;
	s21 =	sshll.u32 s5, $0x1;
	s2 =	sadd.s32 s19, s18  }
0x9c: {  	s6 =	simm.s32 $0x0;
	s20 =	sshll.u32 s4, $0x1;
	s4 =	sadd.s32 s21, s2  }
0x9d: {  	[timem:s6], [sflag:s22] =	dma.local [hbm:s4], s20  }
0x9e: {  	_ =	swait.ge [sflag:s22], s20  }
0x9f: {  	s3 =	ssub.s32 $0x0, s20;
	[sflag:s22] =	ssyncset.done $0x0  }
0xa0: {  	[sflag:s22] =	ssyncadd.s32 s3;
	_ =	sdelay $0x1  }
0xa1: {  	s23 =	simm.s32 $0x1B8B  }
0xa2: {  	_ =	swait.ge [sflag:s23], $0x1  }
0xa3: {  	[sflag:s23] =	ssyncset.done $0x0  }
0xa4: {  	s25 =	simm.s32 $0x1B8E;
	s24 =	sld [smem:$0x3FFE];
	[sflag:s23] =	ssyncadd.s32 $0xFFFFFFFF  }
0xa5: {  	s26 =	simm.s32 $execute0_lowered;
	[smem:$0x3FD2] =	sst s25  }
0xa6: {  	s4 =	sshll.u32 s26, $0x1;
	_ =	strace $0x80000046;
	[dreg:$0x1] =	wrdreg $0xFFFFFFFF  }
0xa7: {  	s28 =	simm.s32 $_size_execute0_lowered;
	s2 =	sadd.s32 s2, s4;
	[dreg:$0x0] =	wrdreg $0x0  }
0xa8: {  	s4 =	sshll.u32 s28, $0x1;
	[dreg:$0x2] =	wrdreg s2  }
0xa9: {  	[dreg:$0x3] =	wrdreg s4  }
0xaa: {  	[dreg:$0x4] =	wrdreg $0xC0  }
0xab: {  	_ =	task [dreg:s6], $0x5FFFF  }
0xac: {  	[dreg:$0x1] =	wrdreg $0xFFFFFFFF  }
0xad: {  	[dreg:$0x0] =	wrdreg $0x60  }
0xae: {  	[dreg:$0x2] =	wrdreg s24  }
0xaf: {  	[dreg:$0x3] =	wrdreg $0x9  }
0xb0: {  	_ =	task.clear_ibuf [dreg:s6], $0x4FFFF;
	_ =	strace $0x90000046  }
0xb1: {  	s29 =	simm.s32 $0x9;
	_ =	strace $0x80000048  }
0xb2: {  	_ =	swait.ge [sflag:s29], $0x1  }
0xb3: {  	[sflag:s29] =	ssyncadd.s32 $0xFFFFFFFF  }
0xb4: {  	_ =	strace $0x90000048  }
0xb5: {  	_ =	sfence  }
0xb6: {  	s30 =	sld [smem:$0x0];
	_ =	sdelay $0x2  }
0xb7: {  	s31 =	sshll.u32 s1, $0xD;
	s1 =	sshrl.u32 s1, $0x2  }
0xb8: {  	s3 =	sand.u32 $0x4000, s31;
	s1 =	sadd.s32 s1, s30  }
0xb9: {  	s0 =	sor.u32 s3, s0;
	s1 =	sshll.u32 s1, $0x11  }
0xba: {  	s0 =	sor.u32 s1, s0  }
0xbb: {  	s0 =	sadd.s32 $0x8F2B, s0  }
0xbc: {  	[sflag:s0] =	ssyncadd.remote.s32 $0x1  }
0xbd: {  	_ =	sfence.sel $0xFFFF  }
0xbe: {  	[dreg:$0x0] =	wrdreg $0xFFFFFFFF;
	(pc) =	sbr.abs _section_cstart, $3  }
0xbf: {  	[dreg:$0x1] =	wrdreg $0xFFFFFFFF  }
0xc0: {  	_ =	task.clear_ibuf [dreg:s6], $0x2FFFF;
	_ =	strace $0x9FFFFFFF  }
0xc1: {  	(tm) =	ssettm $0x7FFFFFFF  }
tec
execute0_lowered:
.L_overlay_start_1:
0x0: {  	(tag) =	ssettag $0x1  }
0x1: {  	s1 =	srdreg.scid  }
0x2: {  	s0 =	stileid.u32;
	s4 =	rddreg [dreg:$0x0];
	s2 =	simm.s32 $0x0  }
0x3: {  	s12 =	simm.s32 $0x2;
	s15 =	simm.s32 $0x2680;
	s13 =	simm.s32 $0x40  }
0x4: {  	s14 =	simm.s32 $0x80;
	s16 =	simm.s32 $0x3;
	s17 =	simm.s32 $0x3F80  }
0x5: {  	s19 =	simm.s32 $0x5880;
	s18 =	simm.s32 $0x4;
	s21 =	simm.s32 $0x7180  }
0x6: {  	s20 =	simm.s32 $0x5;
	s22 =	simm.s32 $0x9;
	s23 =	simm.s32 $0x0  }
0x7: {  	s5 =	sand.u32 $0x1, s1;
	s24 =	sshll.u32 s0, $0x1;
	s6 =	smul.u32 $0x1C0000, s0  }
0x8: {  	[smem:$0x7FF] =	sst s2;
	s25 =	sadd.s32 $0xCA600, s4;
	s11 =	smul.u32 $0x38000, s0  }
0x9: {  	s1 =	sor.u32 s5, s24;
	_ =	strace $0x80000047;
	[dreg:$0x6] =	wrdreg s15  }
0xa: {  	s7 =	smul.u32 $0xE0000, s5;
	s9 =	ssub.s32 $0x2, s5;
	[dreg:$0x7] =	wrdreg s17  }
0xb: {  	s5 =	smul.u32 $0x1C000, s5;
	s15 =	simm.s32 $0x6500;
	[dreg:$0x8] =	wrdreg s19  }
0xc: {  	s17 =	simm.s32 $0x6;
	s19 =	simm.s32 $0x7;
	[dreg:$0x9] =	wrdreg s21  }
0xd: {  	s21 =	simm.s32 $0x8;
	s3 =	smul.u32 $0x340, s1;
	s26 =	sshrl.u32 s9, $0x1  }
0xe: {  	s29 =	sadd.s32 s11, s25;
	s11 =	simm.s32 $0x4C00;
	s6 =	sadd.s32 s7, s6  }
0xf: {  	s9 =	ssub.s32 s9, s26;
	s5 =	sadd.s32 s5, s29;
	s7 =	simm.s32 $0x64  }
0x10: {  	s8 =	sadd.s32 s3, s4;
	s3 =	sadd.s32 $0x7000, s4;
	s10 =	sor.u32 $0x5400, s6  }
0x11: {  	s30 =	sor.u32 $0xC400, s6;
	s6 =	sor.u32 $0x8C00, s6;
	[dreg:$0x3] =	wrdreg s5  }
0x12: {  	s5 =	smax.u32 s9, $0x1;
	s9 =	simm.s32 $0x68;
	s10 =	sshrl.u32 s10, $0x3  }
0x13: {  	s4 =	sadd.s32 $0x800, s8;
	s31 =	sshrl.u32 s30, $0x3;
	s28 =	sadd.s32 s10, s25  }
0x14: {  	s6 =	sshrl.u32 s6, $0x3;
	s8 =	sadd.s32 s31, s25;
	[dreg:$0x2] =	wrdreg s28  }
0x15: {  	s6 =	sadd.s32 s6, s25;
	s10 =	simm.s32 $0x3300;
	[dreg:$0x4] =	wrdreg s8  }
0x16: {  	[dreg:$0x5] =	wrdreg s6;
	s6 =	simm.s32 $0x1;
	s8 =	simm.s32 $0x1A00  }
.LBB2_1:
0x17: {  	[tilespmem:s2], [sflag:$0x1] =	stream.linear.gather [hbm4b:s4+s2], $0x1A00, $0x38;
	[tilespmem:$0x7E00] =	vst v63  }
0x18: {  	_ =	swait.ge [sflag:s6], $0x1A00  }
0x19: {  	p0 =	por $0x1, $0x1;
	[sflag:s6] =	ssyncset.done $0x0  }
0x1a: {  	p0 =	por p0, p0;
	[sflag:s6] =	ssyncadd.s32 $0xFFFFE600  }
0x1b: {  	[tilespmem:s8], [sflag:$0x2] =	stream.indirect.gather [hbm4b:s3+s7], $0x40, s2, s7, $0xb8;
	[tilespmem:$0x7E00] =	vst v63  }
0x1c: {  	s24 =	simm.s32 @!p0 $0x8  }
0x1d: {  	[tilespmem:s10], [sflag:$0x3] =	stream.indirect.gather [hbm4b:s3+s7], $0x40, s9, s7, $0xb8;
	[tilespmem:$0x7E00] =	vst v63  }
0x1e: {  	_ =	swait.ge @!p0 [sflag:s24], $0xC80  }
0x1f: {  	[sflag:s24] =	ssyncset.done @!p0 $0x0  }
0x20: {  	[sflag:s24] =	ssyncadd.s32 @!p0 $0xFFFFF380  }
0x21: {  	_ =	swait.ge @!p0 [sflag:s24], $0xC80  }
0x22: {  	[sflag:s24] =	ssyncset.done @!p0 $0x0  }
0x23: {  	s31 =	simm.s32 $0xD0;
	[sflag:s24] =	ssyncadd.s32 @!p0 $0xFFFFF380  }
0x24: {  	[tilespmem:s11], [sflag:$0x4] =	stream.indirect.gather [hbm4b:s3+s7], $0x40, s31, s7, $0xb8;
	[tilespmem:$0x7E00] =	vst v63  }
0x25: {  	_ =	swait.ge [sflag:s12], $0x1900  }
0x26: {  	s0 =	rddreg [dreg:$0x3];
	[sflag:s12] =	ssyncset.done $0x0  }
0x27: {  	[sflag:s12] =	ssyncadd.s32 $0xFFFFE700;
	s25 =	sadd.s32 $0x0, s0  }
0x28: {  	[hbm4b:s25+s13] =	stream.strided.scatter [tilespmem:s8], [sflag:$0x6], $0xC80, s14, s13, $0x38;
	[tilespmem:$0x7E00] =	vst v63  }
0x29: {  	s28 =	simm.s32 @!p0 $0x9;
	s1 =	rddreg [dreg:$0x6];
	s26 =	sadd.s32 $0x380, s25  }
0x2a: {  	[hbm4b:s26+s13] =	stream.strided.scatter [tilespmem:s1], [sflag:$0x6], $0xC80, s14, s13, $0x38;
	[tilespmem:$0x7E00] =	vst v63  }
0x2b: {  	_ =	swait.ge @!p0 [sflag:s28], $0xC80  }
0x2c: {  	[sflag:s28] =	ssyncset.done @!p0 $0x0  }
0x2d: {  	[sflag:s28] =	ssyncadd.s32 @!p0 $0xFFFFF380  }
0x2e: {  	_ =	swait.ge @!p0 [sflag:s28], $0xC80  }
0x2f: {  	[sflag:s28] =	ssyncset.done @!p0 $0x0  }
0x30: {  	s31 =	simm.s32 $0x138;
	[sflag:s28] =	ssyncadd.s32 @!p0 $0xFFFFF380  }
0x31: {  	[tilespmem:s15], [sflag:$0x5] =	stream.indirect.gather [hbm4b:s3+s7], $0x40, s31, s7, $0xb8;
	[tilespmem:$0x7E00] =	vst v63  }
0x32: {  	_ =	swait.ge [sflag:s16], $0x1900  }
0x33: {  	[sflag:s16] =	ssyncset.done $0x0  }
0x34: {  	s1 =	sadd.s32 $0x700, s25;
	s0 =	rddreg [dreg:$0x2];
	[sflag:s16] =	ssyncadd.s32 $0xFFFFE700  }
0x35: {  	[hbm4b:s1+s13] =	stream.strided.scatter [tilespmem:s10], [sflag:$0x7], $0xC80, s14, s13, $0x38;
	[tilespmem:$0x7E00] =	vst v63  }
0x36: {  	s28 =	rddreg [dreg:$0x7];
	s24 =	sadd.s32 $0x0, s0  }
0x37: {  	[hbm4b:s24+s13] =	stream.strided.scatter [tilespmem:s28], [sflag:$0x7], $0xC80, s14, s13, $0x38;
	[tilespmem:$0x7E00] =	vst v63  }
0x38: {  	_ =	swait.ge [sflag:s17], $0xC80  }
0x39: {  	[sflag:s17] =	ssyncset.done $0x0  }
0x3a: {  	[sflag:s17] =	ssyncadd.s32 $0xFFFFF380  }
0x3b: {  	p0 =	por $0x0, $0x0;
	_ =	swait.ge [sflag:s17], $0xC80  }
0x3c: {  	s26 =	simm.s32 @!p0 $0x64;
	[sflag:s17] =	ssyncset.done $0x0  }
0x3d: {  	s24 =	simm.s32 @!p0 $0x1A0;
	s28 =	simm.s32 @!p0 $0x1A00;
	[sflag:s17] =	ssyncadd.s32 $0xFFFFF380  }
0x3e: {  	[tilespmem:s28], [sflag:$0x2] =	stream.indirect.gather @!p0 [hbm4b:s3+s26], $0x40, s24, s26, $0xb8;
	[tilespmem:$0x7E00] =	vst v63  }
0x3f: {  	_ =	swait.ge [sflag:s18], $0x1900  }
0x40: {  	[sflag:s18] =	ssyncset.done $0x0  }
0x41: {  	s28 =	sadd.s32 $0xE00, s25;
	s31 =	rddreg [dreg:$0x5];
	[sflag:s18] =	ssyncadd.s32 $0xFFFFE700  }
0x42: {  	[hbm4b:s28+s13] =	stream.strided.scatter [tilespmem:s11], [sflag:$0x8], $0xC80, s14, s13, $0x38;
	[tilespmem:$0x7E00] =	vst v63  }
0x43: {  	s29 =	rddreg [dreg:$0x8];
	s24 =	sadd.s32 $0x0, s31  }
0x44: {  	[hbm4b:s24+s13] =	stream.strided.scatter [tilespmem:s29], [sflag:$0x8], $0xC80, s14, s13, $0x38;
	[tilespmem:$0x7E00] =	vst v63  }
0x45: {  	_ =	swait.ge [sflag:s19], $0xC80  }
0x46: {  	[sflag:s19] =	ssyncset.done $0x0  }
0x47: {  	[sflag:s19] =	ssyncadd.s32 $0xFFFFF380  }
0x48: {  	_ =	swait.ge [sflag:s19], $0xC80  }
0x49: {  	[sflag:s19] =	ssyncset.done $0x0  }
0x4a: {  	s28 =	simm.s32 @!p0 $0x3300;
	s24 =	simm.s32 $0x208;
	[sflag:s19] =	ssyncadd.s32 $0xFFFFF380  }
0x4b: {  	[tilespmem:s28], [sflag:$0x3] =	stream.indirect.gather @!p0 [hbm4b:s3+s26], $0x40, s24, s26, $0xb8;
	[tilespmem:$0x7E00] =	vst v63  }
0x4c: {  	p6 =	por $0x0, $0x0;
	s25 =	sadd.s32 $0x1500, s25;
	_ =	swait.ge [sflag:s20], $0x1900  }
0x4d: {  	s24 =	simm.s32 $0x1C00;
	s26 =	simm.s32 $0x3800;
	[sflag:s20] =	ssyncset.done $0x0  }
0x4e: {  	p0 =	por p6, p6;
	s30 =	rddreg [dreg:$0x4];
	[sflag:s20] =	ssyncadd.s32 $0xFFFFE700  }
0x4f: {  	[hbm4b:s25+s13] =	stream.strided.scatter [tilespmem:s15], [sflag:$0x9], $0xC80, s14, s13, $0x38;
	[tilespmem:$0x7E00] =	vst v63  }
0x50: {  	s28 =	simm.s32 $0x0;
	s29 =	rddreg [dreg:$0x9];
	s25 =	simm.s32 $0x3A8  }
.LBB2_2:
0x51: {  	s31 =	simm.s32 @!p0 $0x8;
	s30 =	sadd.s32 s28, s30  }
0x52: {  	[hbm4b:s30+s13] =	stream.strided.scatter [tilespmem:s29], [sflag:$0x9], $0xC80, s14, s13, $0x38;
	[tilespmem:$0x7E00] =	vst v63  }
0x53: {  	_ =	swait.ge @!p0 [sflag:s31], $0xC80  }
0x54: {  	[sflag:s31] =	ssyncset.done @!p0 $0x0  }
0x55: {  	[sflag:s31] =	ssyncadd.s32 @!p0 $0xFFFFF380  }
0x56: {  	_ =	swait.ge @!p0 [sflag:s31], $0xC80  }
0x57: {  	[sflag:s31] =	ssyncset.done @!p0 $0x0  }
0x58: {  	s29 =	sadd.s32 $0xFFFFFEC8, s25;
	[sflag:s31] =	ssyncadd.s32 @!p0 $0xFFFFF380  }
0x59: {  	[tilespmem:s11], [sflag:$0x4] =	stream.indirect.gather [hbm4b:s3+s7], $0x40, s29, s7, $0xb8;
	[tilespmem:$0x7E00] =	vst v63  }
0x5a: {  	_ =	swait.ge [sflag:s12], $0x1900  }
0x5b: {  	s28 =	smov.u32 s24;
	s29 =	rddreg [dreg:$0x3];
	[sflag:s12] =	ssyncset.done $0x0  }
0x5c: {  	[sflag:s12] =	ssyncadd.s32 $0xFFFFE700;
	s29 =	sadd.s32 s28, s29  }
0x5d: {  	[hbm4b:s29+s13] =	stream.strided.scatter [tilespmem:s8], [sflag:$0x6], $0xC80, s14, s13, $0x38;
	[tilespmem:$0x7E00] =	vst v63  }
0x5e: {  	s1 =	simm.s32 @!p0 $0x9;
	s30 =	rddreg [dreg:$0x6];
	s0 =	sadd.s32 $0x380, s29  }
0x5f: {  	[hbm4b:s0+s13] =	stream.strided.scatter [tilespmem:s30], [sflag:$0x6], $0xC80, s14, s13, $0x38;
	[tilespmem:$0x7E00] =	vst v63  }
0x60: {  	_ =	swait.ge @!p0 [sflag:s1], $0xC80  }
0x61: {  	[sflag:s1] =	ssyncset.done @!p0 $0x0  }
0x62: {  	[sflag:s1] =	ssyncadd.s32 @!p0 $0xFFFFF380  }
0x63: {  	_ =	swait.ge @!p0 [sflag:s1], $0xC80  }
0x64: {  	[sflag:s1] =	ssyncset.done @!p0 $0x0  }
0x65: {  	s31 =	sadd.s32 $0xFFFFFF30, s25;
	[sflag:s1] =	ssyncadd.s32 @!p0 $0xFFFFF380  }
0x66: {  	[tilespmem:s15], [sflag:$0x5] =	stream.indirect.gather [hbm4b:s3+s7], $0x40, s31, s7, $0xb8;
	[tilespmem:$0x7E00] =	vst v63  }
0x67: {  	_ =	swait.ge [sflag:s16], $0x1900  }
0x68: {  	[sflag:s16] =	ssyncset.done $0x0  }
0x69: {  	s30 =	sadd.s32 $0x700, s29;
	s1 =	rddreg [dreg:$0x2];
	[sflag:s16] =	ssyncadd.s32 $0xFFFFE700  }
0x6a: {  	[hbm4b:s30+s13] =	stream.strided.scatter [tilespmem:s10], [sflag:$0x7], $0xC80, s14, s13, $0x38;
	[tilespmem:$0x7E00] =	vst v63  }
0x6b: {  	s0 =	rddreg [dreg:$0x7];
	s1 =	sadd.s32 s28, s1  }
0x6c: {  	[hbm4b:s1+s13] =	stream.strided.scatter [tilespmem:s0], [sflag:$0x7], $0xC80, s14, s13, $0x38;
	[tilespmem:$0x7E00] =	vst v63  }
0x6d: {  	_ =	swait.ge [sflag:s17], $0xC80  }
0x6e: {  	[sflag:s17] =	ssyncset.done $0x0  }
0x6f: {  	p2 =	seq.s32 s26, $0x0;
	[sflag:s17] =	ssyncadd.s32 $0xFFFFF380  }
0x70: {  	p0 =	por p2, p2;
	p2 =	seq.s32 s28, $0x1A400;
	_ =	swait.ge [sflag:s17], $0xC80  }
0x71: {  	s31 =	simm.s32 @!p2 $0x1A00;
	[sflag:s17] =	ssyncset.done $0x0  }
0x72: {  	s30 =	simm.s32 @!p2 $0x64;
	s1 =	sadd.s32 @!p2 $0xFFFFFF98, s25;
	[sflag:s17] =	ssyncadd.s32 $0xFFFFF380  }
0x73: {  	[tilespmem:s31], [sflag:$0x2] =	stream.indirect.gather @!p2 [hbm4b:s3+s30], $0x40, s1, s30, $0xb8;
	[tilespmem:$0x7E00] =	vst v63  }
0x74: {  	_ =	swait.ge [sflag:s18], $0x1900  }
0x75: {  	[sflag:s18] =	ssyncset.done $0x0  }
0x76: {  	s1 =	sadd.s32 $0xE00, s29;
	s31 =	rddreg [dreg:$0x5];
	[sflag:s18] =	ssyncadd.s32 $0xFFFFE700  }
0x77: {  	[hbm4b:s1+s13] =	stream.strided.scatter [tilespmem:s11], [sflag:$0x8], $0xC80, s14, s13, $0x38;
	[tilespmem:$0x7E00] =	vst v63  }
0x78: {  	s0 =	rddreg [dreg:$0x8];
	s31 =	sadd.s32 s28, s31  }
0x79: {  	[hbm4b:s31+s13] =	stream.strided.scatter [tilespmem:s0], [sflag:$0x8], $0xC80, s14, s13, $0x38;
	[tilespmem:$0x7E00] =	vst v63  }
0x7a: {  	_ =	swait.ge [sflag:s19], $0xC80  }
0x7b: {  	[sflag:s19] =	ssyncset.done $0x0  }
0x7c: {  	[sflag:s19] =	ssyncadd.s32 $0xFFFFF380  }
0x7d: {  	_ =	swait.ge [sflag:s19], $0xC80  }
0x7e: {  	s24 =	smov.u32 s26;
	s26 =	sadd.s32 $0x1C00, s26;
	[sflag:s19] =	ssyncset.done $0x0  }
0x7f: {  	p1 =	sne.s32 s26, $0x1C000;
	s0 =	simm.s32 @!p2 $0x3300;
	[sflag:s19] =	ssyncadd.s32 $0xFFFFF380  }
0x80: {  	[tilespmem:s0], [sflag:$0x3] =	stream.indirect.gather @!p2 [hbm4b:s3+s30], $0x40, s25, s30, $0xb8;
	[tilespmem:$0x7E00] =	vst v63  }
.Ltmp0:
0x81: {  	_ = 	snop;
	(pc) =	sbr.rel @p1 .LBB2_2-.Ltmp0, $4  }
0x82: {  	_ =	swait.ge [sflag:s20], $0x1900  }
0x83: {  	s31 =	sadd.s32 $0x1500, s29;
	[sflag:s20] =	ssyncset.done $0x0;
	s30 =	rddreg [dreg:$0x4]  }
0x84: {  	s25 =	sadd.s32 $0x1A0, s25;
	s29 =	rddreg [dreg:$0x9];
	[sflag:s20] =	ssyncadd.s32 $0xFFFFE700  }
0x85: {  	[hbm4b:s31+s13] =	stream.strided.scatter [tilespmem:s15], [sflag:$0x9], $0xC80, s14, s13, $0x38;
	[tilespmem:$0x7E00] =	vst v63  }
0x86: {  	s0 =	simm.s32 @!p0 $0x8;
	s1 =	sadd.s32 s28, s30  }
0x87: {  	[hbm4b:s1+s13] =	stream.strided.scatter [tilespmem:s29], [sflag:$0x9], $0xC80, s14, s13, $0x38;
	[tilespmem:$0x7E00] =	vst v63  }
0x88: {  	_ =	swait.ge @!p0 [sflag:s0], $0xC80  }
0x89: {  	[sflag:s0] =	ssyncset.done @!p0 $0x0  }
0x8a: {  	[sflag:s0] =	ssyncadd.s32 @!p0 $0xFFFFF380  }
0x8b: {  	_ =	swait.ge @!p0 [sflag:s0], $0xC80  }
0x8c: {  	[sflag:s0] =	ssyncset.done @!p0 $0x0  }
0x8d: {  	s29 =	sadd.s32 $0xFFFFFEC8, s25;
	[sflag:s0] =	ssyncadd.s32 @!p0 $0xFFFFF380  }
0x8e: {  	[tilespmem:s11], [sflag:$0x4] =	stream.indirect.gather [hbm4b:s3+s7], $0x40, s29, s7, $0xb8;
	[tilespmem:$0x7E00] =	vst v63  }
0x8f: {  	_ =	swait.ge [sflag:s12], $0x1900  }
0x90: {  	s30 =	rddreg [dreg:$0x3];
	[sflag:s12] =	ssyncset.done $0x0  }
0x91: {  	[sflag:s12] =	ssyncadd.s32 $0xFFFFE700;
	s0 =	sadd.s32 s24, s30  }
0x92: {  	[hbm4b:s0+s13] =	stream.strided.scatter [tilespmem:s8], [sflag:$0x6], $0xC80, s14, s13, $0x38;
	[tilespmem:$0x7E00] =	vst v63  }
0x93: {  	s28 =	simm.s32 @!p0 $0x9;
	s31 =	rddreg [dreg:$0x6];
	s26 =	sadd.s32 $0x380, s0  }
0x94: {  	[hbm4b:s26+s13] =	stream.strided.scatter [tilespmem:s31], [sflag:$0x6], $0xC80, s14, s13, $0x38;
	[tilespmem:$0x7E00] =	vst v63  }
0x95: {  	_ =	swait.ge @!p0 [sflag:s28], $0xC80  }
0x96: {  	[sflag:s28] =	ssyncset.done @!p0 $0x0  }
0x97: {  	[sflag:s28] =	ssyncadd.s32 @!p0 $0xFFFFF380  }
0x98: {  	_ =	swait.ge @!p0 [sflag:s28], $0xC80  }
0x99: {  	[sflag:s28] =	ssyncset.done @!p0 $0x0  }
0x9a: {  	s29 =	sadd.s32 $0xFFFFFF30, s25;
	[sflag:s28] =	ssyncadd.s32 @!p0 $0xFFFFF380  }
0x9b: {  	[tilespmem:s15], [sflag:$0x5] =	stream.indirect.gather [hbm4b:s3+s7], $0x40, s29, s7, $0xb8;
	[tilespmem:$0x7E00] =	vst v63  }
0x9c: {  	_ =	swait.ge [sflag:s16], $0x1900  }
0x9d: {  	[sflag:s16] =	ssyncset.done $0x0  }
0x9e: {  	s31 =	sadd.s32 $0x700, s0;
	s30 =	rddreg [dreg:$0x2];
	[sflag:s16] =	ssyncadd.s32 $0xFFFFE700  }
0x9f: {  	[hbm4b:s31+s13] =	stream.strided.scatter [tilespmem:s10], [sflag:$0x7], $0xC80, s14, s13, $0x38;
	[tilespmem:$0x7E00] =	vst v63  }
0xa0: {  	s29 =	rddreg [dreg:$0x7];
	s1 =	sadd.s32 s24, s30  }
0xa1: {  	[hbm4b:s1+s13] =	stream.strided.scatter [tilespmem:s29], [sflag:$0x7], $0xC80, s14, s13, $0x38;
	[tilespmem:$0x7E00] =	vst v63  }
0xa2: {  	_ =	swait.ge [sflag:s17], $0xC80  }
0xa3: {  	[sflag:s17] =	ssyncset.done $0x0  }
0xa4: {  	[sflag:s17] =	ssyncadd.s32 $0xFFFFF380  }
0xa5: {  	p0 =	seq.s32 s24, $0x1A400;
	_ =	swait.ge [sflag:s17], $0xC80  }
0xa6: {  	s26 =	simm.s32 @!p0 $0x64;
	[sflag:s17] =	ssyncset.done $0x0  }
0xa7: {  	s28 =	simm.s32 @!p0 $0x1A00;
	s1 =	sadd.s32 @!p0 $0xFFFFFF98, s25;
	[sflag:s17] =	ssyncadd.s32 $0xFFFFF380  }
0xa8: {  	[tilespmem:s28], [sflag:$0x2] =	stream.indirect.gather @!p0 [hbm4b:s3+s26], $0x40, s1, s26, $0xb8;
	[tilespmem:$0x7E00] =	vst v63  }
0xa9: {  	_ =	swait.ge [sflag:s18], $0x1900  }
0xaa: {  	[sflag:s18] =	ssyncset.done $0x0  }
0xab: {  	s30 =	sadd.s32 $0xE00, s0;
	s1 =	rddreg [dreg:$0x5];
	[sflag:s18] =	ssyncadd.s32 $0xFFFFE700  }
0xac: {  	[hbm4b:s30+s13] =	stream.strided.scatter [tilespmem:s11], [sflag:$0x8], $0xC80, s14, s13, $0x38;
	[tilespmem:$0x7E00] =	vst v63  }
0xad: {  	s31 =	rddreg [dreg:$0x8];
	s1 =	sadd.s32 s24, s1  }
0xae: {  	[hbm4b:s1+s13] =	stream.strided.scatter [tilespmem:s31], [sflag:$0x8], $0xC80, s14, s13, $0x38;
	[tilespmem:$0x7E00] =	vst v63  }
0xaf: {  	_ =	swait.ge [sflag:s19], $0xC80  }
0xb0: {  	[sflag:s19] =	ssyncset.done $0x0  }
0xb1: {  	[sflag:s19] =	ssyncadd.s32 $0xFFFFF380  }
0xb2: {  	_ =	swait.ge [sflag:s19], $0xC80  }
0xb3: {  	[sflag:s19] =	ssyncset.done $0x0  }
0xb4: {  	s1 =	simm.s32 @!p0 $0x3300;
	[sflag:s19] =	ssyncadd.s32 $0xFFFFF380  }
0xb5: {  	[tilespmem:s1], [sflag:$0x3] =	stream.indirect.gather @!p0 [hbm4b:s3+s26], $0x40, s25, s26, $0xb8;
	[tilespmem:$0x7E00] =	vst v63  }
0xb6: {  	_ =	swait.ge [sflag:s20], $0x1900  }
0xb7: {  	[sflag:s20] =	ssyncset.done $0x0  }
0xb8: {  	s0 =	sadd.s32 $0x1500, s0;
	s29 =	rddreg [dreg:$0x4];
	[sflag:s20] =	ssyncadd.s32 $0xFFFFE700  }
0xb9: {  	[hbm4b:s0+s13] =	stream.strided.scatter [tilespmem:s15], [sflag:$0x9], $0xC80, s14, s13, $0x38;
	[tilespmem:$0x7E00] =	vst v63  }
0xba: {  	s30 =	rddreg [dreg:$0x9];
	s31 =	sadd.s32 s24, s29  }
0xbb: {  	[hbm4b:s31+s13] =	stream.strided.scatter [tilespmem:s30], [sflag:$0x9], $0xC80, s14, s13, $0x38;
	[tilespmem:$0x7E00] =	vst v63  }
0xbc: {  	_ =	swait.ge [sflag:s21], $0xC80  }
0xbd: {  	[sflag:s21] =	ssyncset.done $0x0  }
0xbe: {  	[sflag:s21] =	ssyncadd.s32 $0xFFFFF380  }
0xbf: {  	_ =	swait.ge [sflag:s21], $0xC80  }
0xc0: {  	[sflag:s21] =	ssyncset.done $0x0  }
0xc1: {  	s23 =	sadd.s32 $0x1, s23;
	[sflag:s21] =	ssyncadd.s32 $0xFFFFF380  }
0xc2: {  	p0 =	sne.s32 s23, s5;
	_ =	swait.ge [sflag:s22], $0xC80  }
.Ltmp1:
0xc3: {  	[sflag:s22] =	ssyncset.done $0x0;
	(pc) =	sbr.rel @p0 .LBB2_1-.Ltmp1, $4  }
0xc4: {  	[sflag:s22] =	ssyncadd.s32 $0xFFFFF380  }
0xc5: {  	_ =	swait.ge [sflag:s22], $0xC80  }
0xc6: {  	[sflag:s22] =	ssyncset.done $0x0  }
0xc7: {  	[sflag:s22] =	ssyncadd.s32 $0xFFFFF380  }
0xc8: {  	_ =	sfence.sel $0x180000  }
0xc9: {  	[bflag:$0x0] =	sbarrier.arrive $0xFFFF  }
0xca: {  	_ =	strace $0x90000047  }
0xcb: {  	s0 =	stileid.u32;
	[bflag:$0x2] =	sbarrier.arrive $0xFFFF  }
0xcc: {  	p0 =	sne.s32 s0, $0x0;
	s0 =	rddreg [dreg:$0x1]  }
0xcd: {  	s0 =	sadd.s32 @!p0 $0x100000, s0  }
0xce: {  	[sflag:s0] =	ssyncadd.tile.s32 @!p0 $0x1;
	_ =	shalt  }
.Lfunc_end2:
_tile_overlayer_lowered:
.L_overlay_start_2:
0xcf: {  	(tag) =	ssettag $0x2  }
0xd0: {  	s0 =	rddreg [dreg:$0x0];
	s2 =	stileid.u32  }
0xd1: {  	s1 =	rddreg [dreg:$0x1];
	p0 =	sne.s32 s2, $0x0  }
0xd2: {  	s3 =	rddreg [dreg:$0x2];
	[bflag:$0x3] =	sbarrier.arrive $0xFFFF;
	s2 =	simm.s32 @!p0 $0x1C0A  }
0xd3: {  	[timem:s3], [sflag:s2] =	dma.local @!p0 [hbm:s0], s1  }
0xd4: {  	s0 =	simm.s32 @!p0 $0xA  }
0xd5: {  	_ =	swait.ge @!p0 [sflag:s0], s1  }
0xd6: {  	s1 =	ssub.s32 @!p0 $0x0, s1;
	[sflag:s0] =	ssyncset.done @!p0 $0x0  }
0xd7: {  	[sflag:s0] =	ssyncadd.s32 @!p0 s1  }
0xd8: {  	[bflag:$0x3] =	sbarrier.arrive $0xFFFF  }
0xd9: {  	_ =	shalt  }

// kernel: sparse-core-data-format-call.cloned.1.call-start
scs
called_computation_lowered:
.L_overlay_start_0:
0x0: {  	s2 =	sld [smem:$0x3FD9]  }
0x1: {  	s3 =	sld [smem:$0x3FFE];
	_ =	sdelay $0x1  }
0x2: {  	s1 =	srdreg.scid  }
0x3: {  	s0 =	sand.u32 $0x1, s1  }
0x4: {  	s18 =	sshll.u32 s0, $0xA;
	s2 =	sadd.s32 s3, s2  }
0x5: {  	s2 =	sadd.s32 s2, s18  }
0x6: {  	[smem:$0x3FC6] =	sst s2  }
0x7: {  	_ = 	snop  }
0x8: {  	s2 =	sld [smem:$0x3FD0];
	(tm) =	ssettm $0x1  }
0x9: {  	s19 =	sld [smem:$0x3FFB];
	_ =	sdelay $0x3  }
0xa: {  	_ =	strace s19  }
0xb: {  	s3 =	sld [smem:$0x3FFC];
	_ =	sdelay $0x3  }
0xc: {  	_ =	strace s3  }
0xd: {  	s3 =	sld [smem:$0x3FFD];
	_ =	sdelay $0x3  }
0xe: {  	_ =	strace s3  }
0xf: {  	_ =	strace $0x8FFFFFFF  }
0x10: {  	s20 =	sld [smem:$0x3FDB];
	_ =	sdelay $0x1  }
0x11: {  	s4 =	simm.s32 $_scs_section_size  }
0x12: {  	s5 =	simm.s32 $_size__tile_overlayer_lowered;
	s6 =	simm.s32 $_tile_overlayer_lowered  }
0x13: {  	s23 =	simm.s32 $0x1BFF;
	s22 =	sshll.u32 s6, $0x1;
	s3 =	sadd.s32 s4, s20  }
0x14: {  	s7 =	simm.s32 $0x0;
	s21 =	sshll.u32 s5, $0x1;
	s5 =	sadd.s32 s22, s3  }
0x15: {  	[timem:s7], [sflag:s23] =	dma.local [hbm:s5], s21  }
0x16: {  	_ =	swait.ge [sflag:s23], s21  }
0x17: {  	s4 =	ssub.s32 $0x0, s21;
	[sflag:s23] =	ssyncset.done $0x0  }
0x18: {  	[sflag:s23] =	ssyncadd.s32 s4;
	_ =	sdelay $0x1  }
0x19: {  	s24 =	simm.s32 $0x1B8B  }
0x1a: {  	_ =	swait.ge [sflag:s24], $0x1  }
0x1b: {  	[sflag:s24] =	ssyncset.done $0x0  }
0x1c: {  	s26 =	simm.s32 $0x1B8E;
	s25 =	sld [smem:$0x3FFE];
	[sflag:s24] =	ssyncadd.s32 $0xFFFFFFFF  }
0x1d: {  	s27 =	simm.s32 $execute0_lowered;
	[smem:$0x3FD2] =	sst s26  }
0x1e: {  	s5 =	sshll.u32 s27, $0x1;
	_ =	strace $0x80000049;
	[dreg:$0x1] =	wrdreg $0xFFFFFFFF  }
0x1f: {  	s28 =	simm.s32 $_size_execute0_lowered;
	s3 =	sadd.s32 s3, s5;
	[dreg:$0x0] =	wrdreg $0x0  }
0x20: {  	s5 =	sshll.u32 s28, $0x1;
	[dreg:$0x2] =	wrdreg s3  }
0x21: {  	[dreg:$0x3] =	wrdreg s5  }
0x22: {  	[dreg:$0x4] =	wrdreg $0xC0  }
0x23: {  	_ =	task [dreg:s7], $0x5FFFF  }
0x24: {  	[dreg:$0x1] =	wrdreg $0xFFFFFFFF  }
0x25: {  	[dreg:$0x0] =	wrdreg $0x60  }
0x26: {  	[dreg:$0x2] =	wrdreg s25  }
0x27: {  	[dreg:$0x3] =	wrdreg s2  }
0x28: {  	[dreg:$0x4] =	wrdreg $0x9  }
0x29: {  	_ =	task.clear_ibuf [dreg:s7], $0x5FFFF;
	_ =	strace $0x90000049  }
0x2a: {  	s29 =	simm.s32 $0x9;
	_ =	strace $0x8000004B  }
0x2b: {  	_ =	swait.ge [sflag:s29], $0x1  }
0x2c: {  	[sflag:s29] =	ssyncadd.s32 $0xFFFFFFFF  }
0x2d: {  	_ =	strace $0x9000004B  }
0x2e: {  	_ =	sfence  }
0x2f: {  	s30 =	sld [smem:$0x0];
	_ =	sdelay $0x2  }
0x30: {  	s31 =	sshll.u32 s1, $0xD;
	s1 =	sshrl.u32 s1, $0x2  }
0x31: {  	s3 =	sand.u32 $0x4000, s31;
	s1 =	sadd.s32 s1, s30  }
0x32: {  	s0 =	sor.u32 s3, s0;
	s1 =	sshll.u32 s1, $0x11  }
0x33: {  	s0 =	sor.u32 s1, s0  }
0x34: {  	s0 =	sadd.s32 $0x8F2B, s0  }
0x35: {  	[sflag:s0] =	ssyncadd.remote.s32 $0x1  }
0x36: {  	_ =	sfence.sel $0xFFFF  }
0x37: {  	[dreg:$0x0] =	wrdreg $0xFFFFFFFF;
	(pc) =	sbr.abs _section_cstart, $3  }
0x38: {  	[dreg:$0x1] =	wrdreg $0xFFFFFFFF  }
0x39: {  	_ =	task.clear_ibuf [dreg:s7], $0x2FFFF;
	_ =	strace $0x9FFFFFFF  }
0x3a: {  	(tm) =	ssettm $0x7FFFFFFF  }
0x3b: {  	_ =	shalt  }
tec
execute0_lowered:
.L_overlay_start_1:
0x0: {  	(tag) =	ssettag $0x1  }
0x1: {  	s0 =	srdreg.scid  }
0x2: {  	s1 =	sshll.u32 s0, $0x4  }
0x3: {  	s0 =	stileid.u32;
	s1 =	sand.u32 $0x10, s1  }
0x4: {  	s1 =	sor.u32 s0, s1  }
0x5: {  	s6 =	rddreg [dreg:$0x0];
	s4 =	simm.s32 $0x1;
	s2 =	sshll.u32 s1, $0x7  }
0x6: {  	s7 =	simm.s32 $0x2;
	s12 =	simm.s32 $0x0;
	s1 =	ssub.s32 $0x1000, s2  }
0x7: {  	s8 =	simm.s32 $0x8000;
	s13 =	simm.s32 $0x0;
	s3 =	sand.u32 $0xF80, s1  }
0x8: {  	s9 =	simm.s32 $0x0;
	s5 =	sshrl.u32 s1, $0xC;
	p0 =	sne.s32 s3, $0x0  }
.Ltmp0:
0x9: {  	s1 =	rddreg [dreg:$0x2];
	s4 =	simm.s32 @!p0 $0x0;
	(pc) =	sbr.rel .LBB1_1-.Ltmp0, $4  }
0xa: {  	s11 =	simm.s32 $0x0;
	s3 =	rddreg [dreg:$0x1];
	s5 =	sadd.s32 s4, s5  }
0xb: {  	_ =	strace $0x8000004A;
	s4 =	simm.s32 $0x1;
	s5 =	smul.u32 $0x32, s5  }
0xc: {  	s6 =	sadd.s32 $0xCA600, s6;
	s10 =	smov.u32 s2;
	[sflag:s4] =	ssyncpa.u1 $0x0  }
0xd: {  	p0 =	por $0x0, $0x0;
	[sflag:s7] =	ssyncpa.u1 $0x0;
	s7 =	sor.u32 $0x1, s5  }
.LBB1_4:
0xe: {  	s16 =	sshll.u32 s13, $0x3;
	s17 =	sand.u32 $0x78, s13  }
0xf: {  	s30 =	sand.u32 $0x7E00, s13;
	s12 =	sshll.u32 s12, $0xF;
	s16 =	sand.u32 $0xC00, s16  }
0x10: {  	[tilespmem:s15+$0x810 ss:$0x81] =	vst.msk $0xffff, v2;
	s31 =	sand.u32 $0x7, s13;
	s16 =	sor.u32 s17, s16;
	s17 =	sadd.s32 s3, s30  }
0x11: {  	[tilespmem:s15+$0x1020 ss:$0x81] =	vst.msk $0xffff, v0;
	s13 =	sshll.u32 s31, $0x12;
	s12 =	sadd.s32 s12, s17;
	s16 =	sshrl.u32 s16, $0x3  }
0x12: {  	[tilespmem:s15+$0x0 ss:$0x81] =	vst.msk $0xffff, v1;
	s13 =	sor.u32 $0x400, s13;
	s12 =	sadd.s32 s16, s12  }
0x13: {  	[hbm4b:s12+s13] =	stream.strided.scatter [tilespmem:s14], [sflag:$0x2], $0x2000, s8, s13, $0x20;
	[tilespmem:$0x8080] =	vst v63  }
.LBB1_5:
0x14: {  	s14 =	sadd.s32 $0x1, s9  }
0x15: {  	s12 =	sadd.s32 $0x1000, s10;
	s16 =	smov.u32 s10;
	p2 =	sgt.s32 s14, $0x31  }
0x16: {  	s16 =	smov.u32 @p2 s12  }
0x17: {  	s14 =	simm.s32 @p2 $0x0;
	p2 =	sgt.s32 s16, $0xFFF  }
0x18: {  	s16 =	smov.u32 @p2 s2;
	p2 =	sne.s32 s11, s7  }
.Ltmp1:
0x19: {  	p1 =	slt.u32 s11, $0x2;
	(pc) =	sbr.rel @!p2 .LBB1_6-.Ltmp1, $4  }
0x1a: {  	s15 =	simm.s32 @!p1 $0x2  }
0x1b: {  	s13 =	smov.u32 s10;
	p0 =	por !p0, !p0;
	_ =	swait.ge @!p1 [sflag:s15], $0x2000  }
0x1c: {  	s12 =	smov.u32 s9;
	[sflag:s15] =	ssyncset.done @!p1 $0x0;
	s9 =	smov.u32 s14  }
0x1d: {  	s11 =	sadd.s32 $0x1, s11;
	[sflag:s15] =	ssyncadd.s32 @!p1 $0xFFFFE000;
	s10 =	smov.u32 s16  }
.LBB1_1:
0x1e: {  	p1 =	sge.u32 s11, s5  }
0x1f: {  	s14 =	sand.u32 @!p1 $0x1FFFFFF, s9  }
0x20: {  	s15 =	smulhi.u32 @!p1 $0x4924925, s14;
	_ =	sdelay $0x1  }
0x21: {  	s15 =	smul.u32 @!p1 $0x38, s15  }
0x22: {  	s16 =	sxor.u32 @!p1 $0xFFFFFFFF, s11;
	s17 =	smul.u32 @!p1 $0x380, s10  }
0x23: {  	s31 =	sadd.s32 $0xFFFFFFFF, s11;
	s16 =	sshll.u32 @!p1 s16, $0xD;
	s14 =	ssub.s32 @!p1 s14, s15  }
0x24: {  	s15 =	sand.u32 @!p1 $0x2000, s16;
	s16 =	sadd.s32 @!p1 s6, s17;
	s14 =	sshll.u32 @!p1 s14, $0x4  }
0x25: {  	s17 =	simm.s32 @!p1 $0x1C00;
	s14 =	sadd.s32 @!p1 s14, s16;
	s16 =	simm.s32 @!p1 $0x40  }
0x26: {  	[tilespmem:s15], [sflag:$0x1] =	stream.strided.gather @!p1 [hbm4b:s14+s16], $0x2000, s17, s16, $0x38;
	[tilespmem:$0x8080] =	vst v63  }
0x27: {  	p1 =	sge.u32 s31, s5  }
.Ltmp2:
0x28: {  	_ = 	snop;
	(pc) =	sbr.rel @p1 .LBB1_5-.Ltmp2, $1  }
0x29: {  	_ =	sdelay $0x3  }
0x2a: {  	s14 =	simm.s32 $0x1  }
0x2b: {  	_ =	swait.ge [sflag:s4], $0x2000;
	s14 =	simm.s32 @!p0 $0x0  }
0x2c: {  	[sflag:s4] =	ssyncset.done $0x0;
	s15 =	sshll.u32 s14, $0xD  }
0x2d: {  	[sflag:s4] =	ssyncadd.s32 $0xFFFFE000;
	s18 =	sor.u32 $0x20, s15  }
0x2e: {  	s14 =	smul.u32 $0x8100, s14;
	v3 =	vld [tilespmem:s18+$0x10]  }
0x2f: {  	s30 =	sand.u32 $0x1, s11;
	v2 =	vld [tilespmem:s18+$0xFFFFFFF0]  }
0x30: {  	s15 =	smul.u32 $0x8100, s30;
	s14 =	sshrl.u32 s14, $0x2;
	v0 =	vld [tilespmem:s18+$0x0]  }
0x31: {  	v1 =	vld [tilespmem:s18+$0xFFFFFFE0];
	s16 =	sor.u32 $0x4000, s14  }
0x32: {  	s31 =	sshrl.u32 s15, $0x2;
	s15 =	sadd.s32 $0x0, s16  }
0x33: {  	s17 =	simm.s32 $0x4;
	s18 =	sadd.s32 $0x40, s18;
	s14 =	sor.u32 $0x4000, s31;
	[tilespmem:s15+$0x1830 ss:$0x81] =	vst.msk $0xffff, v3  }
.LBB1_3:
0x34: {  	v3 =	vld [tilespmem:s18+$0x10];
	p1 =	sne.s32 s17, $0x1FC;
	[tilespmem:s15+$0x810 ss:$0x81] =	vst.msk $0xffff, v2;
	s19 =	smov.u32 s17;
	s17 =	sadd.s32 $0x4, s17  }
.Ltmp3:
0x35: {  	v2 =	vld [tilespmem:s18+$0xFFFFFFF0];
	[tilespmem:s15+$0x1020 ss:$0x81] =	vst.msk $0xffff, v0;
	(pc) =	sbr.rel @p1 .LBB1_3-.Ltmp3, $4  }
0x36: {  	v0 =	vld [tilespmem:s18+$0x0];
	[tilespmem:s15+$0x0 ss:$0x81] =	vst.msk $0xffff, v1  }
0x37: {  	s15 =	sshra.s32 s19, $0x2;
	v1 =	vld [tilespmem:s18+$0xFFFFFFE0]  }
0x38: {  	s15 =	sadd.s32 s15, s16  }
0x39: {  	s18 =	sadd.s32 $0x40, s18;
	[tilespmem:s15+$0x1830 ss:$0x81] =	vst.msk $0xffff, v3  }
.Ltmp4:
0x3a: {  	_ = 	snop;
	(pc) =	sbr.rel .LBB1_4-.Ltmp4, $1  }
0x3b: {  	_ =	sdelay $0x3  }
.LBB1_6:
0x3c: {  	_ =	sfence.sel $0x180000  }
0x3d: {  	s2 =	simm.s32 $0x1;
	[bflag:$0x0] =	sbarrier.arrive $0xFFFF  }
0x3e: {  	s31 =	simm.s32 $0x2;
	[sflag:s2] =	ssyncpa.u1 $0x1  }
0x3f: {  	[sflag:s31] =	ssyncpa.u1 $0x1  }
0x40: {  	p0 =	sne.s32 s0, $0x0;
	_ =	strace $0x9000004A  }
0x41: {  	s0 =	sadd.s32 @!p0 $0x100000, s1;
	[bflag:$0x2] =	sbarrier.arrive $0xFFFF  }
0x42: {  	[sflag:s0] =	ssyncadd.tile.s32 @!p0 $0x1;
	_ =	shalt  }
.Lfunc_end1:
_tile_overlayer_lowered:
.L_overlay_start_2:
0x43: {  	(tag) =	ssettag $0x2  }
0x44: {  	s0 =	rddreg [dreg:$0x0];
	s2 =	stileid.u32  }
0x45: {  	s1 =	rddreg [dreg:$0x1];
	p0 =	sne.s32 s2, $0x0  }
0x46: {  	s3 =	rddreg [dreg:$0x2];
	[bflag:$0x3] =	sbarrier.arrive $0xFFFF;
	s2 =	simm.s32 @!p0 $0x1C01  }
0x47: {  	[timem:s3], [sflag:s2] =	dma.local @!p0 [hbm:s0], s1  }
0x48: {  	s0 =	simm.s32 @!p0 $0x1  }
0x49: {  	_ =	swait.ge @!p0 [sflag:s0], s1  }
0x4a: {  	s1 =	ssub.s32 @!p0 $0x0, s1;
	[sflag:s0] =	ssyncset.done @!p0 $0x0  }
0x4b: {  	[sflag:s0] =	ssyncadd.s32 @!p0 s1  }
0x4c: {  	[bflag:$0x3] =	sbarrier.arrive $0xFFFF  }
0x4d: {  	_ =	shalt  }

</sc_bundles>
